<compile_context>
chip_gen: v7x
topology: tpu7x:2x2x1
jax: 0.10.2.dev20260603
libtpu: 0.0.44.dev20260713+nightly
codegen_flags: <defaults>
</compile_context>

<pallas_src>
import functools
import math

import jax
import jax.numpy as jnp
from jax import lax
from jax.experimental import pallas as pl
from jax.experimental.pallas import tpu as pltpu
from jax.experimental.pallas import tpu_sc as plsc

VOCAB = 1_000_000
EMB = 64
B = 16384
L = 50
SCALE = math.sqrt(EMB)

NC = 2
NS = 16
LANES = 16

E_PER_CORE = EMB // NC
B_PER_SUB = B // NS
CHUNK = 128
N_CHUNK = B_PER_SUB // CHUNK
N_STAGERS = 8
_TAIL = 128
_MAIN_TILES = (VOCAB - VOCAB % 128) // 128
_tiles = [_MAIN_TILES // N_STAGERS + (1 if i < _MAIN_TILES % N_STAGERS else 0)
          for i in range(N_STAGERS)]
_STAGE_SIZES = [t * 128 for t in _tiles]
_STAGE_OFFS = [sum(_STAGE_SIZES[:i]) for i in range(N_STAGERS)]


def _make_kernel():
    mesh = plsc.VectorSubcoreMesh(core_axis_name="c", subcore_axis_name="s")

    @functools.partial(
        pl.kernel,
        out_type=jax.ShapeDtypeStruct((L, EMB, B), jnp.float32),
        mesh=mesh,
        scratch_types=[
            pltpu.VMEM((L, B_PER_SUB), jnp.int32),
            pltpu.VMEM((B_PER_SUB,), jnp.float32),
            pltpu.VMEM((B_PER_SUB,), jnp.float32),
            pltpu.VMEM((128,), jnp.float32),
            pltpu.VMEM_SHARED((VOCAB,), jnp.float32),
            pltpu.SemaphoreType.DMA,
            pltpu.SemaphoreType.DMA,
            pltpu.SemaphoreType.DMA,
            pltpu.SemaphoreType.DMA,
            pltpu.SemaphoreType.DMA,
            pltpu.SemaphoreType.DMA,
        ],
        compiler_params=pltpu.CompilerParams(use_tc_tiling_on_sc=True),
    )
    def k(tok_hbm, tab_hbm, tail_hbm, out_hbm, tok_v, gbuf0, gbuf1, tbuf,
          row, sem_t, sem_r, sem_g0, sem_g1, sem_o0, sem_o1):
        cid = lax.axis_index("c")
        sid = lax.axis_index("s")
        e_base = cid * E_PER_CORE
        b_base = sid * B_PER_SUB

        gbufs = (gbuf0, gbuf1)
        sem_gs = (sem_g0, sem_g1)
        sem_os = (sem_o0, sem_o1)

        pltpu.make_async_copy(tok_hbm.at[sid], tok_v, sem_t).start()

        def row_desc(k_e, i):
            off, sz = _STAGE_OFFS[i], _STAGE_SIZES[i]
            return pltpu.make_async_copy(
                tab_hbm.at[e_base + k_e].at[pl.ds(off, sz)],
                row.at[pl.ds(off, sz)],
                sem_r)

        def tail_desc(k_e):
            return pltpu.make_async_copy(
                tail_hbm.at[pl.ds((e_base + k_e) * _TAIL, _TAIL)],
                tbuf, sem_r)

        def _tail_wait(k_e):
            tail_desc(k_e).wait()
            pltpu.sync_copy(tbuf, row.at[pl.ds(VOCAB - _TAIL, _TAIL)])

        def row_stage(k_e, op):
            for i in range(N_STAGERS):
                pl.when(sid == i)(lambda i=i: getattr(row_desc(k_e, i), op)())
            if op == "start":
                pl.when(sid == N_STAGERS)(lambda: tail_desc(k_e).start())
            else:
                pl.when(sid == N_STAGERS)(lambda: _tail_wait(k_e))

        def gather_descs(row_buf, l, gbuf, sem):
            return [
                pltpu.make_async_copy(
                    row_buf.at[tok_v.at[l, pl.ds(j * CHUNK, CHUNK)]],
                    gbuf.at[pl.ds(j * CHUNK, CHUNK)],
                    sem)
                for j in range(N_CHUNK)
            ]

        def out_desc(l, k_e, gbuf, sem):
            return pltpu.make_async_copy(
                gbuf, out_hbm.at[l, e_base + k_e, pl.ds(b_base, B_PER_SUB)],
                sem)

        row_stage(0, "start")

        pltpu.make_async_copy(tok_hbm.at[sid], tok_v, sem_t).wait()

        @pl.loop(0, E_PER_CORE)
        def _(k_e):
            row_stage(k_e, "wait")

            plsc.subcore_barrier()

            for d in gather_descs(row, 0, gbufs[0], sem_gs[0]):
                d.start()

            @pl.loop(0, L, step=2)
            def _(l0):
                for b2 in range(2):
                    l = l0 + b2
                    gbuf, sem_g = gbufs[b2], sem_gs[b2]
                    obuf, osem_g = gbufs[1 - b2], sem_gs[1 - b2]

                    @pl.when(l + 1 < L)
                    def _():
                        @pl.when(l >= 1)
                        def _():
                            out_desc(l - 1, k_e, obuf, sem_os[1 - b2]).wait()

                        for d in gather_descs(row, l + 1, obuf, osem_g):
                            d.start()

                    for d in gather_descs(row, l, gbuf, sem_g):
                        d.wait()

                    @plsc.parallel_loop(0, B_PER_SUB, step=LANES, unroll=4)
                    def _(i):
                        sl = pl.ds(i, LANES)
                        gbuf[sl] = gbuf[sl] * SCALE

                    out_desc(l, k_e, gbuf, sem_os[b2]).start()

            out_desc(L - 2, k_e, gbufs[0], sem_os[0]).wait()
            out_desc(L - 1, k_e, gbufs[1], sem_os[1]).wait()

            plsc.subcore_barrier()

            @pl.when(k_e + 1 < E_PER_CORE)
            def _():
                row_stage(k_e + 1, "start")

    return k


_K = _make_kernel()


@jax.jit
def kernel(tokens, table):
    tok_t = jnp.transpose(tokens)
    tok_blk = jnp.transpose(jnp.reshape(tok_t, (L, NS, B_PER_SUB)), (1, 0, 2))
    tab_t = jnp.transpose(table)
    tab_tail = jnp.reshape(
        lax.slice(tab_t, (0, VOCAB - _TAIL), (EMB, VOCAB)), (EMB * _TAIL,))
    out_k = _K(tok_blk, tab_t, tab_tail)
    return jnp.transpose(out_k, (2, 0, 1))

# --- scband reference (transcript-rebuilt; emitter-appended) ---
"""Pipeline reference for scband-simple-embedding-19138374271201 (READ-ONLY COPY).

The authoritative reference and input builder live on the scoring server;
editing this copy changes nothing except your own understanding.
"""

import math
import jax, jax.numpy as jnp
import numpy as np

VOCAB = 1000000
EMB = 64
B = 16384
L = 50

def setup_inputs(seed: int = 0) -> dict:
    key = jax.random.key(seed)
    k_tok, k_tab = jax.random.split(key)
    tokens = jax.random.randint(k_tok, (B, L), 0, VOCAB, dtype=jnp.int64) if jax.config.jax_enable_x64 else jax.random.randint(k_tok, (B, L), 0, VOCAB, dtype=jnp.int32)
    table = jax.random.normal(k_tab, (VOCAB, EMB), dtype=jnp.float32)
    return {"tokens": tokens, "table": table}

def reference(tokens, table):
    # embedding lookup (gather) then scale by sqrt(emb_size)
    emb = jnp.take(table, tokens, axis=0)
    return emb * math.sqrt(EMB)

if __name__ == "__main__":
    import jax
    _d = setup_inputs()
    print(jax.jit(kernel)(*tuple(_d.values())))

</pallas_src>

<mosaic_0001>
#map = affine_map<(d0, d1) -> (0, 0, 0)>
#map1 = affine_map<(d0, d1) -> (0, 0)>
#map2 = affine_map<(d0, d1) -> (0)>
module attributes {stable_mosaic.version = 14 : i64} {
  func.func @k(%arg0: i32, %arg1: i32, %arg2: memref<16x50x1024xi32, #tpu.memory_space<hbm>>, %arg3: memref<64x1000000xf32, #tpu.memory_space<hbm>>, %arg4: memref<8192xf32, #tpu.memory_space<hbm>>, %arg5: memref<50x64x16384xf32, #tpu.memory_space<hbm>>, %arg6: memref<50x1024xi32, #tpu.memory_space<vmem>>, %arg7: memref<1024xf32, #tpu.memory_space<vmem>>, %arg8: memref<1024xf32, #tpu.memory_space<vmem>>, %arg9: memref<128xf32, #tpu.memory_space<vmem>>, %arg10: memref<1000000xf32, #tpu.memory_space<vmem_shared>>, %arg11: memref<!tpu.dma_semaphore, #tpu.memory_space<semaphore_mem>>, %arg12: memref<!tpu.dma_semaphore, #tpu.memory_space<semaphore_mem>>, %arg13: memref<!tpu.dma_semaphore, #tpu.memory_space<semaphore_mem>>, %arg14: memref<!tpu.dma_semaphore, #tpu.memory_space<semaphore_mem>>, %arg15: memref<!tpu.dma_semaphore, #tpu.memory_space<semaphore_mem>>, %arg16: memref<!tpu.dma_semaphore, #tpu.memory_space<semaphore_mem>>) attributes {dimension_semantics = [#tpu.dimension_semantics<core_parallel>, #tpu.dimension_semantics<subcore_parallel>], iteration_bounds = array<i64: 2, 16>, scalar_prefetch = 0 : i64, scratch_operands = 11 : i64, tpu.core_type = #tpu.core_type<sc_vector_subcore>, window_params = [{transform_indices = #map}, {transform_indices = #map1}, {transform_indices = #map2}, {transform_indices = #map}]} {
    %mul3A = arith.constant 32 : i32
    %mul3A_0 = arith.muli %arg0, %mul3A : i32
    %mul3A_1 = arith.constant 1024 : i32
    %mul3A_2 = arith.muli %arg1, %mul3A_1 : i32
    %dma_start3A = arith.constant 0 : i32
    %dma_start3A_3 = arith.constant 0 : i32
    %dma_start3A_4 = tpu.memref_slice %arg2[%arg1, %dma_start3A, %dma_start3A_3] : memref<16x50x1024xi32, #tpu.memory_space<hbm>> -> memref<1x50x1024xi32, #tpu.memory_space<hbm>>
    %dma_start3A_5 = tpu.memref_squeeze %dma_start3A_4 : memref<1x50x1024xi32, #tpu.memory_space<hbm>> -> memref<50x1024xi32, #tpu.memory_space<hbm>>
    %dma_start3A_6 = arith.constant 0 : i32
    %dma_start3A_7 = arith.constant 0 : i32
    %dma_start3A_8 = tpu.memref_slice %arg2[%arg1, %dma_start3A_6, %dma_start3A_7] : memref<16x50x1024xi32, #tpu.memory_space<hbm>> -> memref<1x50x1024xi32, #tpu.memory_space<hbm>>
    %dma_start3A_9 = tpu.memref_squeeze %dma_start3A_8 : memref<1x50x1024xi32, #tpu.memory_space<hbm>> -> memref<50x1024xi32, #tpu.memory_space<hbm>>
    tpu.enqueue_dma source(%dma_start3A_9 : memref<50x1024xi32, #tpu.memory_space<hbm>>) target(%arg6 : memref<50x1024xi32, #tpu.memory_space<vmem>>) target_semaphore(%arg11 : memref<!tpu.dma_semaphore, #tpu.memory_space<semaphore_mem>>)
    %eq3A = arith.constant 0 : i32
    %eq3A_10 = arith.cmpi eq, %arg1, %eq3A : i32
    %convert_element_type3A = arith.extui %eq3A_10 : i1 to i32
    %cond3A = arith.constant 0 : i32
    %cond3A_11 = arith.cmpi ne, %convert_element_type3A, %cond3A : i32
    scf.if %cond3A_11 {
      %add3A = arith.constant 0 : i32
      %add3A_63 = arith.addi %mul3A_0, %add3A : i32
      %dma_start3A_64 = arith.constant 0 : i32
      %dma_start3A_65 = tpu.memref_slice %arg10[%dma_start3A_64] : memref<1000000xf32, #tpu.memory_space<vmem_shared>> -> memref<125056xf32, #tpu.memory_space<vmem_shared>>
      %dma_start3A_66 = arith.constant 0 : i32
      %dma_start3A_67 = tpu.memref_slice %arg3[%add3A_63, %dma_start3A_66] : memref<64x1000000xf32, #tpu.memory_space<hbm>> -> memref<1x1000000xf32, #tpu.memory_space<hbm>>
      %dma_start3A_68 = tpu.memref_squeeze %dma_start3A_67 : memref<1x1000000xf32, #tpu.memory_space<hbm>> -> memref<1000000xf32, #tpu.memory_space<hbm>>
      %dma_start3A_69 = arith.constant 0 : i32
      %dma_start3A_70 = tpu.memref_slice %dma_start3A_68[%dma_start3A_69] : memref<1000000xf32, #tpu.memory_space<hbm>> -> memref<125056xf32, #tpu.memory_space<hbm>>
      tpu.enqueue_dma source(%dma_start3A_70 : memref<125056xf32, #tpu.memory_space<hbm>>) target(%dma_start3A_65 : memref<125056xf32, #tpu.memory_space<vmem_shared>>) target_semaphore(%arg12 : memref<!tpu.dma_semaphore, #tpu.memory_space<semaphore_mem>>)
    } else {
    }
    %eq3A_12 = arith.constant 1 : i32
    %eq3A_13 = arith.cmpi eq, %arg1, %eq3A_12 : i32
    %convert_element_type3A_14 = arith.extui %eq3A_13 : i1 to i32
    %cond3A_15 = arith.constant 0 : i32
    %cond3A_16 = arith.cmpi ne, %convert_element_type3A_14, %cond3A_15 : i32
    scf.if %cond3A_16 {
      %add3A = arith.constant 0 : i32
      %add3A_63 = arith.addi %mul3A_0, %add3A : i32
      %dma_start3A_64 = arith.constant 125056 : i32
      %dma_start3A_65 = tpu.memref_slice %arg10[%dma_start3A_64] : memref<1000000xf32, #tpu.memory_space<vmem_shared>> -> memref<125056xf32, #tpu.memory_space<vmem_shared>>
      %dma_start3A_66 = arith.constant 0 : i32
      %dma_start3A_67 = tpu.memref_slice %arg3[%add3A_63, %dma_start3A_66] : memref<64x1000000xf32, #tpu.memory_space<hbm>> -> memref<1x1000000xf32, #tpu.memory_space<hbm>>
      %dma_start3A_68 = tpu.memref_squeeze %dma_start3A_67 : memref<1x1000000xf32, #tpu.memory_space<hbm>> -> memref<1000000xf32, #tpu.memory_space<hbm>>
      %dma_start3A_69 = arith.constant 125056 : i32
      %dma_start3A_70 = tpu.memref_slice %dma_start3A_68[%dma_start3A_69] : memref<1000000xf32, #tpu.memory_space<hbm>> -> memref<125056xf32, #tpu.memory_space<hbm>>
      tpu.enqueue_dma source(%dma_start3A_70 : memref<125056xf32, #tpu.memory_space<hbm>>) target(%dma_start3A_65 : memref<125056xf32, #tpu.memory_space<vmem_shared>>) target_semaphore(%arg12 : memref<!tpu.dma_semaphore, #tpu.memory_space<semaphore_mem>>)
    } else {
    }
    %eq3A_17 = arith.constant 2 : i32
    %eq3A_18 = arith.cmpi eq, %arg1, %eq3A_17 : i32
    %convert_element_type3A_19 = arith.extui %eq3A_18 : i1 to i32
    %cond3A_20 = arith.constant 0 : i32
    %cond3A_21 = arith.cmpi ne, %convert_element_type3A_19, %cond3A_20 : i32
    scf.if %cond3A_21 {
      %add3A = arith.constant 0 : i32
      %add3A_63 = arith.addi %mul3A_0, %add3A : i32
      %dma_start3A_64 = arith.constant 250112 : i32
      %dma_start3A_65 = tpu.memref_slice %arg10[%dma_start3A_64] : memref<1000000xf32, #tpu.memory_space<vmem_shared>> -> memref<125056xf32, #tpu.memory_space<vmem_shared>>
      %dma_start3A_66 = arith.constant 0 : i32
      %dma_start3A_67 = tpu.memref_slice %arg3[%add3A_63, %dma_start3A_66] : memref<64x1000000xf32, #tpu.memory_space<hbm>> -> memref<1x1000000xf32, #tpu.memory_space<hbm>>
      %dma_start3A_68 = tpu.memref_squeeze %dma_start3A_67 : memref<1x1000000xf32, #tpu.memory_space<hbm>> -> memref<1000000xf32, #tpu.memory_space<hbm>>
      %dma_start3A_69 = arith.constant 250112 : i32
      %dma_start3A_70 = tpu.memref_slice %dma_start3A_68[%dma_start3A_69] : memref<1000000xf32, #tpu.memory_space<hbm>> -> memref<125056xf32, #tpu.memory_space<hbm>>
      tpu.enqueue_dma source(%dma_start3A_70 : memref<125056xf32, #tpu.memory_space<hbm>>) target(%dma_start3A_65 : memref<125056xf32, #tpu.memory_space<vmem_shared>>) target_semaphore(%arg12 : memref<!tpu.dma_semaphore, #tpu.memory_space<semaphore_mem>>)
    } else {
    }
    %eq3A_22 = arith.constant 3 : i32
    %eq3A_23 = arith.cmpi eq, %arg1, %eq3A_22 : i32
    %convert_element_type3A_24 = arith.extui %eq3A_23 : i1 to i32
    %cond3A_25 = arith.constant 0 : i32
    %cond3A_26 = arith.cmpi ne, %convert_element_type3A_24, %cond3A_25 : i32
    scf.if %cond3A_26 {
      %add3A = arith.constant 0 : i32
      %add3A_63 = arith.addi %mul3A_0, %add3A : i32
      %dma_start3A_64 = arith.constant 375168 : i32
      %dma_start3A_65 = tpu.memref_slice %arg10[%dma_start3A_64] : memref<1000000xf32, #tpu.memory_space<vmem_shared>> -> memref<125056xf32, #tpu.memory_space<vmem_shared>>
      %dma_start3A_66 = arith.constant 0 : i32
      %dma_start3A_67 = tpu.memref_slice %arg3[%add3A_63, %dma_start3A_66] : memref<64x1000000xf32, #tpu.memory_space<hbm>> -> memref<1x1000000xf32, #tpu.memory_space<hbm>>
      %dma_start3A_68 = tpu.memref_squeeze %dma_start3A_67 : memref<1x1000000xf32, #tpu.memory_space<hbm>> -> memref<1000000xf32, #tpu.memory_space<hbm>>
      %dma_start3A_69 = arith.constant 375168 : i32
      %dma_start3A_70 = tpu.memref_slice %dma_start3A_68[%dma_start3A_69] : memref<1000000xf32, #tpu.memory_space<hbm>> -> memref<125056xf32, #tpu.memory_space<hbm>>
      tpu.enqueue_dma source(%dma_start3A_70 : memref<125056xf32, #tpu.memory_space<hbm>>) target(%dma_start3A_65 : memref<125056xf32, #tpu.memory_space<vmem_shared>>) target_semaphore(%arg12 : memref<!tpu.dma_semaphore, #tpu.memory_space<semaphore_mem>>)
    } else {
    }
    %eq3A_27 = arith.constant 4 : i32
    %eq3A_28 = arith.cmpi eq, %arg1, %eq3A_27 : i32
    %convert_element_type3A_29 = arith.extui %eq3A_28 : i1 to i32
    %cond3A_30 = arith.constant 0 : i32
    %cond3A_31 = arith.cmpi ne, %convert_element_type3A_29, %cond3A_30 : i32
    scf.if %cond3A_31 {
      %add3A = arith.constant 0 : i32
      %add3A_63 = arith.addi %mul3A_0, %add3A : i32
      %dma_start3A_64 = arith.constant 500224 : i32
      %dma_start3A_65 = tpu.memref_slice %arg10[%dma_start3A_64] : memref<1000000xf32, #tpu.memory_space<vmem_shared>> -> memref<124928xf32, #tpu.memory_space<vmem_shared>>
      %dma_start3A_66 = arith.constant 0 : i32
      %dma_start3A_67 = tpu.memref_slice %arg3[%add3A_63, %dma_start3A_66] : memref<64x1000000xf32, #tpu.memory_space<hbm>> -> memref<1x1000000xf32, #tpu.memory_space<hbm>>
      %dma_start3A_68 = tpu.memref_squeeze %dma_start3A_67 : memref<1x1000000xf32, #tpu.memory_space<hbm>> -> memref<1000000xf32, #tpu.memory_space<hbm>>
      %dma_start3A_69 = arith.constant 500224 : i32
      %dma_start3A_70 = tpu.memref_slice %dma_start3A_68[%dma_start3A_69] : memref<1000000xf32, #tpu.memory_space<hbm>> -> memref<124928xf32, #tpu.memory_space<hbm>>
      tpu.enqueue_dma source(%dma_start3A_70 : memref<124928xf32, #tpu.memory_space<hbm>>) target(%dma_start3A_65 : memref<124928xf32, #tpu.memory_space<vmem_shared>>) target_semaphore(%arg12 : memref<!tpu.dma_semaphore, #tpu.memory_space<semaphore_mem>>)
    } else {
    }
    %eq3A_32 = arith.constant 5 : i32
    %eq3A_33 = arith.cmpi eq, %arg1, %eq3A_32 : i32
    %convert_element_type3A_34 = arith.extui %eq3A_33 : i1 to i32
    %cond3A_35 = arith.constant 0 : i32
    %cond3A_36 = arith.cmpi ne, %convert_element_type3A_34, %cond3A_35 : i32
    scf.if %cond3A_36 {
      %add3A = arith.constant 0 : i32
      %add3A_63 = arith.addi %mul3A_0, %add3A : i32
      %dma_start3A_64 = arith.constant 625152 : i32
      %dma_start3A_65 = tpu.memref_slice %arg10[%dma_start3A_64] : memref<1000000xf32, #tpu.memory_space<vmem_shared>> -> memref<124928xf32, #tpu.memory_space<vmem_shared>>
      %dma_start3A_66 = arith.constant 0 : i32
      %dma_start3A_67 = tpu.memref_slice %arg3[%add3A_63, %dma_start3A_66] : memref<64x1000000xf32, #tpu.memory_space<hbm>> -> memref<1x1000000xf32, #tpu.memory_space<hbm>>
      %dma_start3A_68 = tpu.memref_squeeze %dma_start3A_67 : memref<1x1000000xf32, #tpu.memory_space<hbm>> -> memref<1000000xf32, #tpu.memory_space<hbm>>
      %dma_start3A_69 = arith.constant 625152 : i32
      %dma_start3A_70 = tpu.memref_slice %dma_start3A_68[%dma_start3A_69] : memref<1000000xf32, #tpu.memory_space<hbm>> -> memref<124928xf32, #tpu.memory_space<hbm>>
      tpu.enqueue_dma source(%dma_start3A_70 : memref<124928xf32, #tpu.memory_space<hbm>>) target(%dma_start3A_65 : memref<124928xf32, #tpu.memory_space<vmem_shared>>) target_semaphore(%arg12 : memref<!tpu.dma_semaphore, #tpu.memory_space<semaphore_mem>>)
    } else {
    }
    %eq3A_37 = arith.constant 6 : i32
    %eq3A_38 = arith.cmpi eq, %arg1, %eq3A_37 : i32
    %convert_element_type3A_39 = arith.extui %eq3A_38 : i1 to i32
    %cond3A_40 = arith.constant 0 : i32
    %cond3A_41 = arith.cmpi ne, %convert_element_type3A_39, %cond3A_40 : i32
    scf.if %cond3A_41 {
      %add3A = arith.constant 0 : i32
      %add3A_63 = arith.addi %mul3A_0, %add3A : i32
      %dma_start3A_64 = arith.constant 750080 : i32
      %dma_start3A_65 = tpu.memref_slice %arg10[%dma_start3A_64] : memref<1000000xf32, #tpu.memory_space<vmem_shared>> -> memref<124928xf32, #tpu.memory_space<vmem_shared>>
      %dma_start3A_66 = arith.constant 0 : i32
      %dma_start3A_67 = tpu.memref_slice %arg3[%add3A_63, %dma_start3A_66] : memref<64x1000000xf32, #tpu.memory_space<hbm>> -> memref<1x1000000xf32, #tpu.memory_space<hbm>>
      %dma_start3A_68 = tpu.memref_squeeze %dma_start3A_67 : memref<1x1000000xf32, #tpu.memory_space<hbm>> -> memref<1000000xf32, #tpu.memory_space<hbm>>
      %dma_start3A_69 = arith.constant 750080 : i32
      %dma_start3A_70 = tpu.memref_slice %dma_start3A_68[%dma_start3A_69] : memref<1000000xf32, #tpu.memory_space<hbm>> -> memref<124928xf32, #tpu.memory_space<hbm>>
      tpu.enqueue_dma source(%dma_start3A_70 : memref<124928xf32, #tpu.memory_space<hbm>>) target(%dma_start3A_65 : memref<124928xf32, #tpu.memory_space<vmem_shared>>) target_semaphore(%arg12 : memref<!tpu.dma_semaphore, #tpu.memory_space<semaphore_mem>>)
    } else {
    }
    %eq3A_42 = arith.constant 7 : i32
    %eq3A_43 = arith.cmpi eq, %arg1, %eq3A_42 : i32
    %convert_element_type3A_44 = arith.extui %eq3A_43 : i1 to i32
    %cond3A_45 = arith.constant 0 : i32
    %cond3A_46 = arith.cmpi ne, %convert_element_type3A_44, %cond3A_45 : i32
    scf.if %cond3A_46 {
      %add3A = arith.constant 0 : i32
      %add3A_63 = arith.addi %mul3A_0, %add3A : i32
      %dma_start3A_64 = arith.constant 875008 : i32
      %dma_start3A_65 = tpu.memref_slice %arg10[%dma_start3A_64] : memref<1000000xf32, #tpu.memory_space<vmem_shared>> -> memref<124928xf32, #tpu.memory_space<vmem_shared>>
      %dma_start3A_66 = arith.constant 0 : i32
      %dma_start3A_67 = tpu.memref_slice %arg3[%add3A_63, %dma_start3A_66] : memref<64x1000000xf32, #tpu.memory_space<hbm>> -> memref<1x1000000xf32, #tpu.memory_space<hbm>>
      %dma_start3A_68 = tpu.memref_squeeze %dma_start3A_67 : memref<1x1000000xf32, #tpu.memory_space<hbm>> -> memref<1000000xf32, #tpu.memory_space<hbm>>
      %dma_start3A_69 = arith.constant 875008 : i32
      %dma_start3A_70 = tpu.memref_slice %dma_start3A_68[%dma_start3A_69] : memref<1000000xf32, #tpu.memory_space<hbm>> -> memref<124928xf32, #tpu.memory_space<hbm>>
      tpu.enqueue_dma source(%dma_start3A_70 : memref<124928xf32, #tpu.memory_space<hbm>>) target(%dma_start3A_65 : memref<124928xf32, #tpu.memory_space<vmem_shared>>) target_semaphore(%arg12 : memref<!tpu.dma_semaphore, #tpu.memory_space<semaphore_mem>>)
    } else {
    }
    %eq3A_47 = arith.constant 8 : i32
    %eq3A_48 = arith.cmpi eq, %arg1, %eq3A_47 : i32
    %convert_element_type3A_49 = arith.extui %eq3A_48 : i1 to i32
    %cond3A_50 = arith.constant 0 : i32
    %cond3A_51 = arith.cmpi ne, %convert_element_type3A_49, %cond3A_50 : i32
    scf.if %cond3A_51 {
      %add3A = arith.constant 0 : i32
      %add3A_63 = arith.addi %mul3A_0, %add3A : i32
      %mul3A_64 = arith.constant 128 : i32
      %mul3A_65 = arith.muli %add3A_63, %mul3A_64 : i32
      %dma_start3A_66 = tpu.memref_slice %arg4[%mul3A_65] : memref<8192xf32, #tpu.memory_space<hbm>> -> memref<128xf32, #tpu.memory_space<hbm>>
      %dma_start3A_67 = tpu.memref_slice %arg4[%mul3A_65] : memref<8192xf32, #tpu.memory_space<hbm>> -> memref<128xf32, #tpu.memory_space<hbm>>
      tpu.enqueue_dma source(%dma_start3A_67 : memref<128xf32, #tpu.memory_space<hbm>>) target(%arg9 : memref<128xf32, #tpu.memory_space<vmem>>) target_semaphore(%arg12 : memref<!tpu.dma_semaphore, #tpu.memory_space<semaphore_mem>>)
    } else {
    }
    %dma_wait3A = arith.constant 0 : i32
    %dma_wait3A_52 = arith.constant 0 : i32
    %dma_wait3A_53 = tpu.memref_slice %arg2[%arg1, %dma_wait3A, %dma_wait3A_52] : memref<16x50x1024xi32, #tpu.memory_space<hbm>> -> memref<1x50x1024xi32, #tpu.memory_space<hbm>>
    %dma_wait3A_54 = tpu.memref_squeeze %dma_wait3A_53 : memref<1x50x1024xi32, #tpu.memory_space<hbm>> -> memref<50x1024xi32, #tpu.memory_space<hbm>>
    %dma_wait3A_55 = arith.constant 0 : i32
    %dma_wait3A_56 = arith.constant 0 : i32
    %dma_wait3A_57 = tpu.memref_slice %arg2[%arg1, %dma_wait3A_55, %dma_wait3A_56] : memref<16x50x1024xi32, #tpu.memory_space<hbm>> -> memref<1x50x1024xi32, #tpu.memory_space<hbm>>
    %dma_wait3A_58 = tpu.memref_squeeze %dma_wait3A_57 : memref<1x50x1024xi32, #tpu.memory_space<hbm>> -> memref<50x1024xi32, #tpu.memory_space<hbm>>
    tpu.wait_dma2 semaphore(%arg11 : memref<!tpu.dma_semaphore, #tpu.memory_space<semaphore_mem>>) src(%dma_wait3A_58 : memref<50x1024xi32, #tpu.memory_space<hbm>>) dst(%arg6 : memref<50x1024xi32, #tpu.memory_space<vmem>>)
    %scan3A = arith.constant 0 : i32
    %scan3A_59 = arith.constant 32 : i32
    %scan3A_60 = arith.addi %scan3A, %scan3A_59 : i32
    %scan3A_61 = arith.constant 1 : i32
    scf.for %scan3A_63 = %scan3A to %scan3A_60 step %scan3A_61  : i32 {
      %mul3A_64 = arith.constant 1 : i32
      %mul3A_65 = arith.muli %scan3A_63, %mul3A_64 : i32
      %add3A = arith.constant 0 : i32
      %add3A_66 = arith.addi %add3A, %mul3A_65 : i32
      %eq3A_67 = arith.constant 0 : i32
      %eq3A_68 = arith.cmpi eq, %arg1, %eq3A_67 : i32
      %convert_element_type3A_69 = arith.extui %eq3A_68 : i1 to i32
      %cond3A_70 = arith.constant 0 : i32
      %cond3A_71 = arith.cmpi ne, %convert_element_type3A_69, %cond3A_70 : i32
      scf.if %cond3A_71 {
        %add3A_200 = arith.addi %mul3A_0, %add3A_66 : i32
        %dma_wait3A_201 = arith.constant 0 : i32
        %dma_wait3A_202 = tpu.memref_slice %arg10[%dma_wait3A_201] : memref<1000000xf32, #tpu.memory_space<vmem_shared>> -> memref<125056xf32, #tpu.memory_space<vmem_shared>>
        %dma_wait3A_203 = arith.constant 0 : i32
        %dma_wait3A_204 = tpu.memref_slice %arg3[%add3A_200, %dma_wait3A_203] : memref<64x1000000xf32, #tpu.memory_space<hbm>> -> memref<1x1000000xf32, #tpu.memory_space<hbm>>
        %dma_wait3A_205 = tpu.memref_squeeze %dma_wait3A_204 : memref<1x1000000xf32, #tpu.memory_space<hbm>> -> memref<1000000xf32, #tpu.memory_space<hbm>>
        %dma_wait3A_206 = arith.constant 0 : i32
        %dma_wait3A_207 = tpu.memref_slice %dma_wait3A_205[%dma_wait3A_206] : memref<1000000xf32, #tpu.memory_space<hbm>> -> memref<125056xf32, #tpu.memory_space<hbm>>
        tpu.wait_dma2 semaphore(%arg12 : memref<!tpu.dma_semaphore, #tpu.memory_space<semaphore_mem>>) src(%dma_wait3A_207 : memref<125056xf32, #tpu.memory_space<hbm>>) dst(%dma_wait3A_202 : memref<125056xf32, #tpu.memory_space<vmem_shared>>)
      } else {
      }
      %eq3A_72 = arith.constant 1 : i32
      %eq3A_73 = arith.cmpi eq, %arg1, %eq3A_72 : i32
      %convert_element_type3A_74 = arith.extui %eq3A_73 : i1 to i32
      %cond3A_75 = arith.constant 0 : i32
      %cond3A_76 = arith.cmpi ne, %convert_element_type3A_74, %cond3A_75 : i32
      scf.if %cond3A_76 {
        %add3A_200 = arith.addi %mul3A_0, %add3A_66 : i32
        %dma_wait3A_201 = arith.constant 125056 : i32
        %dma_wait3A_202 = tpu.memref_slice %arg10[%dma_wait3A_201] : memref<1000000xf32, #tpu.memory_space<vmem_shared>> -> memref<125056xf32, #tpu.memory_space<vmem_shared>>
        %dma_wait3A_203 = arith.constant 0 : i32
        %dma_wait3A_204 = tpu.memref_slice %arg3[%add3A_200, %dma_wait3A_203] : memref<64x1000000xf32, #tpu.memory_space<hbm>> -> memref<1x1000000xf32, #tpu.memory_space<hbm>>
        %dma_wait3A_205 = tpu.memref_squeeze %dma_wait3A_204 : memref<1x1000000xf32, #tpu.memory_space<hbm>> -> memref<1000000xf32, #tpu.memory_space<hbm>>
        %dma_wait3A_206 = arith.constant 125056 : i32
        %dma_wait3A_207 = tpu.memref_slice %dma_wait3A_205[%dma_wait3A_206] : memref<1000000xf32, #tpu.memory_space<hbm>> -> memref<125056xf32, #tpu.memory_space<hbm>>
        tpu.wait_dma2 semaphore(%arg12 : memref<!tpu.dma_semaphore, #tpu.memory_space<semaphore_mem>>) src(%dma_wait3A_207 : memref<125056xf32, #tpu.memory_space<hbm>>) dst(%dma_wait3A_202 : memref<125056xf32, #tpu.memory_space<vmem_shared>>)
      } else {
      }
      %eq3A_77 = arith.constant 2 : i32
      %eq3A_78 = arith.cmpi eq, %arg1, %eq3A_77 : i32
      %convert_element_type3A_79 = arith.extui %eq3A_78 : i1 to i32
      %cond3A_80 = arith.constant 0 : i32
      %cond3A_81 = arith.cmpi ne, %convert_element_type3A_79, %cond3A_80 : i32
      scf.if %cond3A_81 {
        %add3A_200 = arith.addi %mul3A_0, %add3A_66 : i32
        %dma_wait3A_201 = arith.constant 250112 : i32
        %dma_wait3A_202 = tpu.memref_slice %arg10[%dma_wait3A_201] : memref<1000000xf32, #tpu.memory_space<vmem_shared>> -> memref<125056xf32, #tpu.memory_space<vmem_shared>>
        %dma_wait3A_203 = arith.constant 0 : i32
        %dma_wait3A_204 = tpu.memref_slice %arg3[%add3A_200, %dma_wait3A_203] : memref<64x1000000xf32, #tpu.memory_space<hbm>> -> memref<1x1000000xf32, #tpu.memory_space<hbm>>
        %dma_wait3A_205 = tpu.memref_squeeze %dma_wait3A_204 : memref<1x1000000xf32, #tpu.memory_space<hbm>> -> memref<1000000xf32, #tpu.memory_space<hbm>>
        %dma_wait3A_206 = arith.constant 250112 : i32
        %dma_wait3A_207 = tpu.memref_slice %dma_wait3A_205[%dma_wait3A_206] : memref<1000000xf32, #tpu.memory_space<hbm>> -> memref<125056xf32, #tpu.memory_space<hbm>>
        tpu.wait_dma2 semaphore(%arg12 : memref<!tpu.dma_semaphore, #tpu.memory_space<semaphore_mem>>) src(%dma_wait3A_207 : memref<125056xf32, #tpu.memory_space<hbm>>) dst(%dma_wait3A_202 : memref<125056xf32, #tpu.memory_space<vmem_shared>>)
      } else {
      }
      %eq3A_82 = arith.constant 3 : i32
      %eq3A_83 = arith.cmpi eq, %arg1, %eq3A_82 : i32
      %convert_element_type3A_84 = arith.extui %eq3A_83 : i1 to i32
      %cond3A_85 = arith.constant 0 : i32
      %cond3A_86 = arith.cmpi ne, %convert_element_type3A_84, %cond3A_85 : i32
      scf.if %cond3A_86 {
        %add3A_200 = arith.addi %mul3A_0, %add3A_66 : i32
        %dma_wait3A_201 = arith.constant 375168 : i32
        %dma_wait3A_202 = tpu.memref_slice %arg10[%dma_wait3A_201] : memref<1000000xf32, #tpu.memory_space<vmem_shared>> -> memref<125056xf32, #tpu.memory_space<vmem_shared>>
        %dma_wait3A_203 = arith.constant 0 : i32
        %dma_wait3A_204 = tpu.memref_slice %arg3[%add3A_200, %dma_wait3A_203] : memref<64x1000000xf32, #tpu.memory_space<hbm>> -> memref<1x1000000xf32, #tpu.memory_space<hbm>>
        %dma_wait3A_205 = tpu.memref_squeeze %dma_wait3A_204 : memref<1x1000000xf32, #tpu.memory_space<hbm>> -> memref<1000000xf32, #tpu.memory_space<hbm>>
        %dma_wait3A_206 = arith.constant 375168 : i32
        %dma_wait3A_207 = tpu.memref_slice %dma_wait3A_205[%dma_wait3A_206] : memref<1000000xf32, #tpu.memory_space<hbm>> -> memref<125056xf32, #tpu.memory_space<hbm>>
        tpu.wait_dma2 semaphore(%arg12 : memref<!tpu.dma_semaphore, #tpu.memory_space<semaphore_mem>>) src(%dma_wait3A_207 : memref<125056xf32, #tpu.memory_space<hbm>>) dst(%dma_wait3A_202 : memref<125056xf32, #tpu.memory_space<vmem_shared>>)
      } else {
      }
      %eq3A_87 = arith.constant 4 : i32
      %eq3A_88 = arith.cmpi eq, %arg1, %eq3A_87 : i32
      %convert_element_type3A_89 = arith.extui %eq3A_88 : i1 to i32
      %cond3A_90 = arith.constant 0 : i32
      %cond3A_91 = arith.cmpi ne, %convert_element_type3A_89, %cond3A_90 : i32
      scf.if %cond3A_91 {
        %add3A_200 = arith.addi %mul3A_0, %add3A_66 : i32
        %dma_wait3A_201 = arith.constant 500224 : i32
        %dma_wait3A_202 = tpu.memref_slice %arg10[%dma_wait3A_201] : memref<1000000xf32, #tpu.memory_space<vmem_shared>> -> memref<124928xf32, #tpu.memory_space<vmem_shared>>
        %dma_wait3A_203 = arith.constant 0 : i32
        %dma_wait3A_204 = tpu.memref_slice %arg3[%add3A_200, %dma_wait3A_203] : memref<64x1000000xf32, #tpu.memory_space<hbm>> -> memref<1x1000000xf32, #tpu.memory_space<hbm>>
        %dma_wait3A_205 = tpu.memref_squeeze %dma_wait3A_204 : memref<1x1000000xf32, #tpu.memory_space<hbm>> -> memref<1000000xf32, #tpu.memory_space<hbm>>
        %dma_wait3A_206 = arith.constant 500224 : i32
        %dma_wait3A_207 = tpu.memref_slice %dma_wait3A_205[%dma_wait3A_206] : memref<1000000xf32, #tpu.memory_space<hbm>> -> memref<124928xf32, #tpu.memory_space<hbm>>
        tpu.wait_dma2 semaphore(%arg12 : memref<!tpu.dma_semaphore, #tpu.memory_space<semaphore_mem>>) src(%dma_wait3A_207 : memref<124928xf32, #tpu.memory_space<hbm>>) dst(%dma_wait3A_202 : memref<124928xf32, #tpu.memory_space<vmem_shared>>)
      } else {
      }
      %eq3A_92 = arith.constant 5 : i32
      %eq3A_93 = arith.cmpi eq, %arg1, %eq3A_92 : i32
      %convert_element_type3A_94 = arith.extui %eq3A_93 : i1 to i32
      %cond3A_95 = arith.constant 0 : i32
      %cond3A_96 = arith.cmpi ne, %convert_element_type3A_94, %cond3A_95 : i32
      scf.if %cond3A_96 {
        %add3A_200 = arith.addi %mul3A_0, %add3A_66 : i32
        %dma_wait3A_201 = arith.constant 625152 : i32
        %dma_wait3A_202 = tpu.memref_slice %arg10[%dma_wait3A_201] : memref<1000000xf32, #tpu.memory_space<vmem_shared>> -> memref<124928xf32, #tpu.memory_space<vmem_shared>>
        %dma_wait3A_203 = arith.constant 0 : i32
        %dma_wait3A_204 = tpu.memref_slice %arg3[%add3A_200, %dma_wait3A_203] : memref<64x1000000xf32, #tpu.memory_space<hbm>> -> memref<1x1000000xf32, #tpu.memory_space<hbm>>
        %dma_wait3A_205 = tpu.memref_squeeze %dma_wait3A_204 : memref<1x1000000xf32, #tpu.memory_space<hbm>> -> memref<1000000xf32, #tpu.memory_space<hbm>>
        %dma_wait3A_206 = arith.constant 625152 : i32
        %dma_wait3A_207 = tpu.memref_slice %dma_wait3A_205[%dma_wait3A_206] : memref<1000000xf32, #tpu.memory_space<hbm>> -> memref<124928xf32, #tpu.memory_space<hbm>>
        tpu.wait_dma2 semaphore(%arg12 : memref<!tpu.dma_semaphore, #tpu.memory_space<semaphore_mem>>) src(%dma_wait3A_207 : memref<124928xf32, #tpu.memory_space<hbm>>) dst(%dma_wait3A_202 : memref<124928xf32, #tpu.memory_space<vmem_shared>>)
      } else {
      }
      %eq3A_97 = arith.constant 6 : i32
      %eq3A_98 = arith.cmpi eq, %arg1, %eq3A_97 : i32
      %convert_element_type3A_99 = arith.extui %eq3A_98 : i1 to i32
      %cond3A_100 = arith.constant 0 : i32
      %cond3A_101 = arith.cmpi ne, %convert_element_type3A_99, %cond3A_100 : i32
      scf.if %cond3A_101 {
        %add3A_200 = arith.addi %mul3A_0, %add3A_66 : i32
        %dma_wait3A_201 = arith.constant 750080 : i32
        %dma_wait3A_202 = tpu.memref_slice %arg10[%dma_wait3A_201] : memref<1000000xf32, #tpu.memory_space<vmem_shared>> -> memref<124928xf32, #tpu.memory_space<vmem_shared>>
        %dma_wait3A_203 = arith.constant 0 : i32
        %dma_wait3A_204 = tpu.memref_slice %arg3[%add3A_200, %dma_wait3A_203] : memref<64x1000000xf32, #tpu.memory_space<hbm>> -> memref<1x1000000xf32, #tpu.memory_space<hbm>>
        %dma_wait3A_205 = tpu.memref_squeeze %dma_wait3A_204 : memref<1x1000000xf32, #tpu.memory_space<hbm>> -> memref<1000000xf32, #tpu.memory_space<hbm>>
        %dma_wait3A_206 = arith.constant 750080 : i32
        %dma_wait3A_207 = tpu.memref_slice %dma_wait3A_205[%dma_wait3A_206] : memref<1000000xf32, #tpu.memory_space<hbm>> -> memref<124928xf32, #tpu.memory_space<hbm>>
        tpu.wait_dma2 semaphore(%arg12 : memref<!tpu.dma_semaphore, #tpu.memory_space<semaphore_mem>>) src(%dma_wait3A_207 : memref<124928xf32, #tpu.memory_space<hbm>>) dst(%dma_wait3A_202 : memref<124928xf32, #tpu.memory_space<vmem_shared>>)
      } else {
      }
      %eq3A_102 = arith.constant 7 : i32
      %eq3A_103 = arith.cmpi eq, %arg1, %eq3A_102 : i32
      %convert_element_type3A_104 = arith.extui %eq3A_103 : i1 to i32
      %cond3A_105 = arith.constant 0 : i32
      %cond3A_106 = arith.cmpi ne, %convert_element_type3A_104, %cond3A_105 : i32
      scf.if %cond3A_106 {
        %add3A_200 = arith.addi %mul3A_0, %add3A_66 : i32
        %dma_wait3A_201 = arith.constant 875008 : i32
        %dma_wait3A_202 = tpu.memref_slice %arg10[%dma_wait3A_201] : memref<1000000xf32, #tpu.memory_space<vmem_shared>> -> memref<124928xf32, #tpu.memory_space<vmem_shared>>
        %dma_wait3A_203 = arith.constant 0 : i32
        %dma_wait3A_204 = tpu.memref_slice %arg3[%add3A_200, %dma_wait3A_203] : memref<64x1000000xf32, #tpu.memory_space<hbm>> -> memref<1x1000000xf32, #tpu.memory_space<hbm>>
        %dma_wait3A_205 = tpu.memref_squeeze %dma_wait3A_204 : memref<1x1000000xf32, #tpu.memory_space<hbm>> -> memref<1000000xf32, #tpu.memory_space<hbm>>
        %dma_wait3A_206 = arith.constant 875008 : i32
        %dma_wait3A_207 = tpu.memref_slice %dma_wait3A_205[%dma_wait3A_206] : memref<1000000xf32, #tpu.memory_space<hbm>> -> memref<124928xf32, #tpu.memory_space<hbm>>
        tpu.wait_dma2 semaphore(%arg12 : memref<!tpu.dma_semaphore, #tpu.memory_space<semaphore_mem>>) src(%dma_wait3A_207 : memref<124928xf32, #tpu.memory_space<hbm>>) dst(%dma_wait3A_202 : memref<124928xf32, #tpu.memory_space<vmem_shared>>)
      } else {
      }
      %eq3A_107 = arith.constant 8 : i32
      %eq3A_108 = arith.cmpi eq, %arg1, %eq3A_107 : i32
      %convert_element_type3A_109 = arith.extui %eq3A_108 : i1 to i32
      %cond3A_110 = arith.constant 0 : i32
      %cond3A_111 = arith.cmpi ne, %convert_element_type3A_109, %cond3A_110 : i32
      scf.if %cond3A_111 {
        %add3A_200 = arith.addi %mul3A_0, %add3A_66 : i32
        %mul3A_201 = arith.constant 128 : i32
        %mul3A_202 = arith.muli %add3A_200, %mul3A_201 : i32
        %dma_wait3A_203 = tpu.memref_slice %arg4[%mul3A_202] : memref<8192xf32, #tpu.memory_space<hbm>> -> memref<128xf32, #tpu.memory_space<hbm>>
        %dma_wait3A_204 = tpu.memref_slice %arg4[%mul3A_202] : memref<8192xf32, #tpu.memory_space<hbm>> -> memref<128xf32, #tpu.memory_space<hbm>>
        tpu.wait_dma2 semaphore(%arg12 : memref<!tpu.dma_semaphore, #tpu.memory_space<semaphore_mem>>) src(%dma_wait3A_204 : memref<128xf32, #tpu.memory_space<hbm>>) dst(%arg9 : memref<128xf32, #tpu.memory_space<vmem>>)
        "tpu.region"() ({
          %run_scoped3A = tpu.sem_alloc : memref<!tpu.dma_semaphore, #tpu.memory_space<semaphore_mem>>
          %dma_start3A_205 = arith.constant 999872 : i32
          %dma_start3A_206 = tpu.memref_slice %arg10[%dma_start3A_205] : memref<1000000xf32, #tpu.memory_space<vmem_shared>> -> memref<128xf32, #tpu.memory_space<vmem_shared>>
          %dma_start3A_207 = arith.constant 999872 : i32
          %dma_start3A_208 = tpu.memref_slice %arg10[%dma_start3A_207] : memref<1000000xf32, #tpu.memory_space<vmem_shared>> -> memref<128xf32, #tpu.memory_space<vmem_shared>>
          tpu.enqueue_dma source(%arg9 : memref<128xf32, #tpu.memory_space<vmem>>) target(%dma_start3A_208 : memref<128xf32, #tpu.memory_space<vmem_shared>>) target_semaphore(%run_scoped3A : memref<!tpu.dma_semaphore, #tpu.memory_space<semaphore_mem>>)
          %dma_wait3A_209 = arith.constant 999872 : i32
          %dma_wait3A_210 = tpu.memref_slice %arg10[%dma_wait3A_209] : memref<1000000xf32, #tpu.memory_space<vmem_shared>> -> memref<128xf32, #tpu.memory_space<vmem_shared>>
          %dma_wait3A_211 = arith.constant 999872 : i32
          %dma_wait3A_212 = tpu.memref_slice %arg10[%dma_wait3A_211] : memref<1000000xf32, #tpu.memory_space<vmem_shared>> -> memref<128xf32, #tpu.memory_space<vmem_shared>>
          tpu.wait_dma2 semaphore(%run_scoped3A : memref<!tpu.dma_semaphore, #tpu.memory_space<semaphore_mem>>) src(%arg9 : memref<128xf32, #tpu.memory_space<vmem>>) dst(%dma_wait3A_212 : memref<128xf32, #tpu.memory_space<vmem_shared>>)
          tpu.yield
        }) : () -> ()
      } else {
      }
      %barrier3A = arith.constant 0 : index
      tpu.barrier barrier_id(%barrier3A)
      %dma_start3A_112 = arith.constant 0 : i32
      %dma_start3A_113 = arith.constant 0 : i32
      %dma_start3A_114 = tpu.memref_slice %arg7[%dma_start3A_113] : memref<1024xf32, #tpu.memory_space<vmem>> -> memref<128xf32, #tpu.memory_space<vmem>>
      %dma_start3A_115 = arith.constant 0 : i32
      %dma_start3A_116 = tpu.memref_slice %arg6[%dma_start3A_112, %dma_start3A_115] : memref<50x1024xi32, #tpu.memory_space<vmem>> -> memref<1x128xi32, #tpu.memory_space<vmem>>
      %dma_start3A_117 = tpu.memref_squeeze %dma_start3A_116 : memref<1x128xi32, #tpu.memory_space<vmem>> -> memref<128xi32, #tpu.memory_space<vmem>>
      %dma_start3A_118 = arith.constant 0 : i32
      %dma_start3A_119 = tpu.memref_slice %arg10[%dma_start3A_118] : memref<1000000xf32, #tpu.memory_space<vmem_shared>> -> memref<1000000xf32, #tpu.memory_space<vmem_shared>>
      tpu.enqueue_indirect_dma source(%dma_start3A_119 : memref<1000000xf32, #tpu.memory_space<vmem_shared>>) target(%dma_start3A_114 : memref<128xf32, #tpu.memory_space<vmem>>) offsets(%dma_start3A_117 : memref<128xi32, #tpu.memory_space<vmem>>) semaphore(%arg13 : memref<!tpu.dma_semaphore, #tpu.memory_space<semaphore_mem>>)
      %dma_start3A_120 = arith.constant 0 : i32
      %dma_start3A_121 = arith.constant 128 : i32
      %dma_start3A_122 = tpu.memref_slice %arg7[%dma_start3A_121] : memref<1024xf32, #tpu.memory_space<vmem>> -> memref<128xf32, #tpu.memory_space<vmem>>
      %dma_start3A_123 = arith.constant 128 : i32
      %dma_start3A_124 = tpu.memref_slice %arg6[%dma_start3A_120, %dma_start3A_123] : memref<50x1024xi32, #tpu.memory_space<vmem>> -> memref<1x128xi32, #tpu.memory_space<vmem>>
      %dma_start3A_125 = tpu.memref_squeeze %dma_start3A_124 : memref<1x128xi32, #tpu.memory_space<vmem>> -> memref<128xi32, #tpu.memory_space<vmem>>
      %dma_start3A_126 = arith.constant 0 : i32
      %dma_start3A_127 = tpu.memref_slice %arg10[%dma_start3A_126] : memref<1000000xf32, #tpu.memory_space<vmem_shared>> -> memref<1000000xf32, #tpu.memory_space<vmem_shared>>
      tpu.enqueue_indirect_dma source(%dma_start3A_127 : memref<1000000xf32, #tpu.memory_space<vmem_shared>>) target(%dma_start3A_122 : memref<128xf32, #tpu.memory_space<vmem>>) offsets(%dma_start3A_125 : memref<128xi32, #tpu.memory_space<vmem>>) semaphore(%arg13 : memref<!tpu.dma_semaphore, #tpu.memory_space<semaphore_mem>>)
      %dma_start3A_128 = arith.constant 0 : i32
      %dma_start3A_129 = arith.constant 256 : i32
      %dma_start3A_130 = tpu.memref_slice %arg7[%dma_start3A_129] : memref<1024xf32, #tpu.memory_space<vmem>> -> memref<128xf32, #tpu.memory_space<vmem>>
      %dma_start3A_131 = arith.constant 256 : i32
      %dma_start3A_132 = tpu.memref_slice %arg6[%dma_start3A_128, %dma_start3A_131] : memref<50x1024xi32, #tpu.memory_space<vmem>> -> memref<1x128xi32, #tpu.memory_space<vmem>>
      %dma_start3A_133 = tpu.memref_squeeze %dma_start3A_132 : memref<1x128xi32, #tpu.memory_space<vmem>> -> memref<128xi32, #tpu.memory_space<vmem>>
      %dma_start3A_134 = arith.constant 0 : i32
      %dma_start3A_135 = tpu.memref_slice %arg10[%dma_start3A_134] : memref<1000000xf32, #tpu.memory_space<vmem_shared>> -> memref<1000000xf32, #tpu.memory_space<vmem_shared>>
      tpu.enqueue_indirect_dma source(%dma_start3A_135 : memref<1000000xf32, #tpu.memory_space<vmem_shared>>) target(%dma_start3A_130 : memref<128xf32, #tpu.memory_space<vmem>>) offsets(%dma_start3A_133 : memref<128xi32, #tpu.memory_space<vmem>>) semaphore(%arg13 : memref<!tpu.dma_semaphore, #tpu.memory_space<semaphore_mem>>)
      %dma_start3A_136 = arith.constant 0 : i32
      %dma_start3A_137 = arith.constant 384 : i32
      %dma_start3A_138 = tpu.memref_slice %arg7[%dma_start3A_137] : memref<1024xf32, #tpu.memory_space<vmem>> -> memref<128xf32, #tpu.memory_space<vmem>>
      %dma_start3A_139 = arith.constant 384 : i32
      %dma_start3A_140 = tpu.memref_slice %arg6[%dma_start3A_136, %dma_start3A_139] : memref<50x1024xi32, #tpu.memory_space<vmem>> -> memref<1x128xi32, #tpu.memory_space<vmem>>
      %dma_start3A_141 = tpu.memref_squeeze %dma_start3A_140 : memref<1x128xi32, #tpu.memory_space<vmem>> -> memref<128xi32, #tpu.memory_space<vmem>>
      %dma_start3A_142 = arith.constant 0 : i32
      %dma_start3A_143 = tpu.memref_slice %arg10[%dma_start3A_142] : memref<1000000xf32, #tpu.memory_space<vmem_shared>> -> memref<1000000xf32, #tpu.memory_space<vmem_shared>>
      tpu.enqueue_indirect_dma source(%dma_start3A_143 : memref<1000000xf32, #tpu.memory_space<vmem_shared>>) target(%dma_start3A_138 : memref<128xf32, #tpu.memory_space<vmem>>) offsets(%dma_start3A_141 : memref<128xi32, #tpu.memory_space<vmem>>) semaphore(%arg13 : memref<!tpu.dma_semaphore, #tpu.memory_space<semaphore_mem>>)
      %dma_start3A_144 = arith.constant 0 : i32
      %dma_start3A_145 = arith.constant 512 : i32
      %dma_start3A_146 = tpu.memref_slice %arg7[%dma_start3A_145] : memref<1024xf32, #tpu.memory_space<vmem>> -> memref<128xf32, #tpu.memory_space<vmem>>
      %dma_start3A_147 = arith.constant 512 : i32
      %dma_start3A_148 = tpu.memref_slice %arg6[%dma_start3A_144, %dma_start3A_147] : memref<50x1024xi32, #tpu.memory_space<vmem>> -> memref<1x128xi32, #tpu.memory_space<vmem>>
      %dma_start3A_149 = tpu.memref_squeeze %dma_start3A_148 : memref<1x128xi32, #tpu.memory_space<vmem>> -> memref<128xi32, #tpu.memory_space<vmem>>
      %dma_start3A_150 = arith.constant 0 : i32
      %dma_start3A_151 = tpu.memref_slice %arg10[%dma_start3A_150] : memref<1000000xf32, #tpu.memory_space<vmem_shared>> -> memref<1000000xf32, #tpu.memory_space<vmem_shared>>
      tpu.enqueue_indirect_dma source(%dma_start3A_151 : memref<1000000xf32, #tpu.memory_space<vmem_shared>>) target(%dma_start3A_146 : memref<128xf32, #tpu.memory_space<vmem>>) offsets(%dma_start3A_149 : memref<128xi32, #tpu.memory_space<vmem>>) semaphore(%arg13 : memref<!tpu.dma_semaphore, #tpu.memory_space<semaphore_mem>>)
      %dma_start3A_152 = arith.constant 0 : i32
      %dma_start3A_153 = arith.constant 640 : i32
      %dma_start3A_154 = tpu.memref_slice %arg7[%dma_start3A_153] : memref<1024xf32, #tpu.memory_space<vmem>> -> memref<128xf32, #tpu.memory_space<vmem>>
      %dma_start3A_155 = arith.constant 640 : i32
      %dma_start3A_156 = tpu.memref_slice %arg6[%dma_start3A_152, %dma_start3A_155] : memref<50x1024xi32, #tpu.memory_space<vmem>> -> memref<1x128xi32, #tpu.memory_space<vmem>>
      %dma_start3A_157 = tpu.memref_squeeze %dma_start3A_156 : memref<1x128xi32, #tpu.memory_space<vmem>> -> memref<128xi32, #tpu.memory_space<vmem>>
      %dma_start3A_158 = arith.constant 0 : i32
      %dma_start3A_159 = tpu.memref_slice %arg10[%dma_start3A_158] : memref<1000000xf32, #tpu.memory_space<vmem_shared>> -> memref<1000000xf32, #tpu.memory_space<vmem_shared>>
      tpu.enqueue_indirect_dma source(%dma_start3A_159 : memref<1000000xf32, #tpu.memory_space<vmem_shared>>) target(%dma_start3A_154 : memref<128xf32, #tpu.memory_space<vmem>>) offsets(%dma_start3A_157 : memref<128xi32, #tpu.memory_space<vmem>>) semaphore(%arg13 : memref<!tpu.dma_semaphore, #tpu.memory_space<semaphore_mem>>)
      %dma_start3A_160 = arith.constant 0 : i32
      %dma_start3A_161 = arith.constant 768 : i32
      %dma_start3A_162 = tpu.memref_slice %arg7[%dma_start3A_161] : memref<1024xf32, #tpu.memory_space<vmem>> -> memref<128xf32, #tpu.memory_space<vmem>>
      %dma_start3A_163 = arith.constant 768 : i32
      %dma_start3A_164 = tpu.memref_slice %arg6[%dma_start3A_160, %dma_start3A_163] : memref<50x1024xi32, #tpu.memory_space<vmem>> -> memref<1x128xi32, #tpu.memory_space<vmem>>
      %dma_start3A_165 = tpu.memref_squeeze %dma_start3A_164 : memref<1x128xi32, #tpu.memory_space<vmem>> -> memref<128xi32, #tpu.memory_space<vmem>>
      %dma_start3A_166 = arith.constant 0 : i32
      %dma_start3A_167 = tpu.memref_slice %arg10[%dma_start3A_166] : memref<1000000xf32, #tpu.memory_space<vmem_shared>> -> memref<1000000xf32, #tpu.memory_space<vmem_shared>>
      tpu.enqueue_indirect_dma source(%dma_start3A_167 : memref<1000000xf32, #tpu.memory_space<vmem_shared>>) target(%dma_start3A_162 : memref<128xf32, #tpu.memory_space<vmem>>) offsets(%dma_start3A_165 : memref<128xi32, #tpu.memory_space<vmem>>) semaphore(%arg13 : memref<!tpu.dma_semaphore, #tpu.memory_space<semaphore_mem>>)
      %dma_start3A_168 = arith.constant 0 : i32
      %dma_start3A_169 = arith.constant 896 : i32
      %dma_start3A_170 = tpu.memref_slice %arg7[%dma_start3A_169] : memref<1024xf32, #tpu.memory_space<vmem>> -> memref<128xf32, #tpu.memory_space<vmem>>
      %dma_start3A_171 = arith.constant 896 : i32
      %dma_start3A_172 = tpu.memref_slice %arg6[%dma_start3A_168, %dma_start3A_171] : memref<50x1024xi32, #tpu.memory_space<vmem>> -> memref<1x128xi32, #tpu.memory_space<vmem>>
      %dma_start3A_173 = tpu.memref_squeeze %dma_start3A_172 : memref<1x128xi32, #tpu.memory_space<vmem>> -> memref<128xi32, #tpu.memory_space<vmem>>
      %dma_start3A_174 = arith.constant 0 : i32
      %dma_start3A_175 = tpu.memref_slice %arg10[%dma_start3A_174] : memref<1000000xf32, #tpu.memory_space<vmem_shared>> -> memref<1000000xf32, #tpu.memory_space<vmem_shared>>
      tpu.enqueue_indirect_dma source(%dma_start3A_175 : memref<1000000xf32, #tpu.memory_space<vmem_shared>>) target(%dma_start3A_170 : memref<128xf32, #tpu.memory_space<vmem>>) offsets(%dma_start3A_173 : memref<128xi32, #tpu.memory_space<vmem>>) semaphore(%arg13 : memref<!tpu.dma_semaphore, #tpu.memory_space<semaphore_mem>>)
      %scan3A_176 = arith.constant 0 : i32
      %scan3A_177 = arith.constant 25 : i32
      %scan3A_178 = arith.addi %scan3A_176, %scan3A_177 : i32
      %scan3A_179 = arith.constant 1 : i32
      scf.for %scan3A_200 = %scan3A_176 to %scan3A_178 step %scan3A_179  : i32 {
        %mul3A_201 = arith.constant 2 : i32
        %mul3A_202 = arith.muli %scan3A_200, %mul3A_201 : i32
        %add3A_203 = arith.constant 0 : i32
        %add3A_204 = arith.addi %add3A_203, %mul3A_202 : i32
        %add3A_205 = arith.constant 0 : i32
        %add3A_206 = arith.addi %add3A_204, %add3A_205 : i32
        %add3A_207 = arith.constant 1 : i32
        %add3A_208 = arith.addi %add3A_206, %add3A_207 : i32
        %lt3A_209 = arith.constant 50 : i32
        %lt3A_210 = arith.cmpi slt, %add3A_208, %lt3A_209 : i32
        %convert_element_type3A_211 = arith.extui %lt3A_210 : i1 to i32
        %cond3A_212 = arith.constant 0 : i32
        %cond3A_213 = arith.cmpi ne, %convert_element_type3A_211, %cond3A_212 : i32
        scf.if %cond3A_213 {
          %ge3A = arith.constant 1 : i32
          %ge3A_350 = arith.cmpi sge, %add3A_206, %ge3A : i32
          %convert_element_type3A_351 = arith.extui %ge3A_350 : i1 to i32
          %cond3A_352 = arith.constant 0 : i32
          %cond3A_353 = arith.cmpi ne, %convert_element_type3A_351, %cond3A_352 : i32
          scf.if %cond3A_353 {
            %sub3A = arith.constant 1 : i32
            %sub3A_412 = arith.subi %add3A_206, %sub3A : i32
            %add3A_413 = arith.addi %mul3A_0, %add3A_66 : i32
            %dma_wait3A_414 = tpu.memref_slice %arg5[%sub3A_412, %add3A_413, %mul3A_2] : memref<50x64x16384xf32, #tpu.memory_space<hbm>> -> memref<1x1x1024xf32, #tpu.memory_space<hbm>>
            %dma_wait3A_415 = tpu.memref_squeeze %dma_wait3A_414 : memref<1x1x1024xf32, #tpu.memory_space<hbm>> -> memref<1024xf32, #tpu.memory_space<hbm>>
            %dma_wait3A_416 = tpu.memref_slice %arg5[%sub3A_412, %add3A_413, %mul3A_2] : memref<50x64x16384xf32, #tpu.memory_space<hbm>> -> memref<1x1x1024xf32, #tpu.memory_space<hbm>>
            %dma_wait3A_417 = tpu.memref_squeeze %dma_wait3A_416 : memref<1x1x1024xf32, #tpu.memory_space<hbm>> -> memref<1024xf32, #tpu.memory_space<hbm>>
            tpu.wait_dma2 semaphore(%arg16 : memref<!tpu.dma_semaphore, #tpu.memory_space<semaphore_mem>>) src(%arg8 : memref<1024xf32, #tpu.memory_space<vmem>>) dst(%dma_wait3A_417 : memref<1024xf32, #tpu.memory_space<hbm>>)
          } else {
          }
          %add3A_354 = arith.constant 1 : i32
          %add3A_355 = arith.addi %add3A_206, %add3A_354 : i32
          %dma_start3A_356 = arith.constant 0 : i32
          %dma_start3A_357 = tpu.memref_slice %arg8[%dma_start3A_356] : memref<1024xf32, #tpu.memory_space<vmem>> -> memref<128xf32, #tpu.memory_space<vmem>>
          %dma_start3A_358 = arith.constant 0 : i32
          %dma_start3A_359 = tpu.memref_slice %arg6[%add3A_355, %dma_start3A_358] : memref<50x1024xi32, #tpu.memory_space<vmem>> -> memref<1x128xi32, #tpu.memory_space<vmem>>
          %dma_start3A_360 = tpu.memref_squeeze %dma_start3A_359 : memref<1x128xi32, #tpu.memory_space<vmem>> -> memref<128xi32, #tpu.memory_space<vmem>>
          %dma_start3A_361 = arith.constant 0 : i32
          %dma_start3A_362 = tpu.memref_slice %arg10[%dma_start3A_361] : memref<1000000xf32, #tpu.memory_space<vmem_shared>> -> memref<1000000xf32, #tpu.memory_space<vmem_shared>>
          tpu.enqueue_indirect_dma source(%dma_start3A_362 : memref<1000000xf32, #tpu.memory_space<vmem_shared>>) target(%dma_start3A_357 : memref<128xf32, #tpu.memory_space<vmem>>) offsets(%dma_start3A_360 : memref<128xi32, #tpu.memory_space<vmem>>) semaphore(%arg14 : memref<!tpu.dma_semaphore, #tpu.memory_space<semaphore_mem>>)
          %dma_start3A_363 = arith.constant 128 : i32
          %dma_start3A_364 = tpu.memref_slice %arg8[%dma_start3A_363] : memref<1024xf32, #tpu.memory_space<vmem>> -> memref<128xf32, #tpu.memory_space<vmem>>
          %dma_start3A_365 = arith.constant 128 : i32
          %dma_start3A_366 = tpu.memref_slice %arg6[%add3A_355, %dma_start3A_365] : memref<50x1024xi32, #tpu.memory_space<vmem>> -> memref<1x128xi32, #tpu.memory_space<vmem>>
          %dma_start3A_367 = tpu.memref_squeeze %dma_start3A_366 : memref<1x128xi32, #tpu.memory_space<vmem>> -> memref<128xi32, #tpu.memory_space<vmem>>
          %dma_start3A_368 = arith.constant 0 : i32
          %dma_start3A_369 = tpu.memref_slice %arg10[%dma_start3A_368] : memref<1000000xf32, #tpu.memory_space<vmem_shared>> -> memref<1000000xf32, #tpu.memory_space<vmem_shared>>
          tpu.enqueue_indirect_dma source(%dma_start3A_369 : memref<1000000xf32, #tpu.memory_space<vmem_shared>>) target(%dma_start3A_364 : memref<128xf32, #tpu.memory_space<vmem>>) offsets(%dma_start3A_367 : memref<128xi32, #tpu.memory_space<vmem>>) semaphore(%arg14 : memref<!tpu.dma_semaphore, #tpu.memory_space<semaphore_mem>>)
          %dma_start3A_370 = arith.constant 256 : i32
          %dma_start3A_371 = tpu.memref_slice %arg8[%dma_start3A_370] : memref<1024xf32, #tpu.memory_space<vmem>> -> memref<128xf32, #tpu.memory_space<vmem>>
          %dma_start3A_372 = arith.constant 256 : i32
          %dma_start3A_373 = tpu.memref_slice %arg6[%add3A_355, %dma_start3A_372] : memref<50x1024xi32, #tpu.memory_space<vmem>> -> memref<1x128xi32, #tpu.memory_space<vmem>>
          %dma_start3A_374 = tpu.memref_squeeze %dma_start3A_373 : memref<1x128xi32, #tpu.memory_space<vmem>> -> memref<128xi32, #tpu.memory_space<vmem>>
          %dma_start3A_375 = arith.constant 0 : i32
          %dma_start3A_376 = tpu.memref_slice %arg10[%dma_start3A_375] : memref<1000000xf32, #tpu.memory_space<vmem_shared>> -> memref<1000000xf32, #tpu.memory_space<vmem_shared>>
          tpu.enqueue_indirect_dma source(%dma_start3A_376 : memref<1000000xf32, #tpu.memory_space<vmem_shared>>) target(%dma_start3A_371 : memref<128xf32, #tpu.memory_space<vmem>>) offsets(%dma_start3A_374 : memref<128xi32, #tpu.memory_space<vmem>>) semaphore(%arg14 : memref<!tpu.dma_semaphore, #tpu.memory_space<semaphore_mem>>)
          %dma_start3A_377 = arith.constant 384 : i32
          %dma_start3A_378 = tpu.memref_slice %arg8[%dma_start3A_377] : memref<1024xf32, #tpu.memory_space<vmem>> -> memref<128xf32, #tpu.memory_space<vmem>>
          %dma_start3A_379 = arith.constant 384 : i32
          %dma_start3A_380 = tpu.memref_slice %arg6[%add3A_355, %dma_start3A_379] : memref<50x1024xi32, #tpu.memory_space<vmem>> -> memref<1x128xi32, #tpu.memory_space<vmem>>
          %dma_start3A_381 = tpu.memref_squeeze %dma_start3A_380 : memref<1x128xi32, #tpu.memory_space<vmem>> -> memref<128xi32, #tpu.memory_space<vmem>>
          %dma_start3A_382 = arith.constant 0 : i32
          %dma_start3A_383 = tpu.memref_slice %arg10[%dma_start3A_382] : memref<1000000xf32, #tpu.memory_space<vmem_shared>> -> memref<1000000xf32, #tpu.memory_space<vmem_shared>>
          tpu.enqueue_indirect_dma source(%dma_start3A_383 : memref<1000000xf32, #tpu.memory_space<vmem_shared>>) target(%dma_start3A_378 : memref<128xf32, #tpu.memory_space<vmem>>) offsets(%dma_start3A_381 : memref<128xi32, #tpu.memory_space<vmem>>) semaphore(%arg14 : memref<!tpu.dma_semaphore, #tpu.memory_space<semaphore_mem>>)
          %dma_start3A_384 = arith.constant 512 : i32
          %dma_start3A_385 = tpu.memref_slice %arg8[%dma_start3A_384] : memref<1024xf32, #tpu.memory_space<vmem>> -> memref<128xf32, #tpu.memory_space<vmem>>
          %dma_start3A_386 = arith.constant 512 : i32
          %dma_start3A_387 = tpu.memref_slice %arg6[%add3A_355, %dma_start3A_386] : memref<50x1024xi32, #tpu.memory_space<vmem>> -> memref<1x128xi32, #tpu.memory_space<vmem>>
          %dma_start3A_388 = tpu.memref_squeeze %dma_start3A_387 : memref<1x128xi32, #tpu.memory_space<vmem>> -> memref<128xi32, #tpu.memory_space<vmem>>
          %dma_start3A_389 = arith.constant 0 : i32
          %dma_start3A_390 = tpu.memref_slice %arg10[%dma_start3A_389] : memref<1000000xf32, #tpu.memory_space<vmem_shared>> -> memref<1000000xf32, #tpu.memory_space<vmem_shared>>
          tpu.enqueue_indirect_dma source(%dma_start3A_390 : memref<1000000xf32, #tpu.memory_space<vmem_shared>>) target(%dma_start3A_385 : memref<128xf32, #tpu.memory_space<vmem>>) offsets(%dma_start3A_388 : memref<128xi32, #tpu.memory_space<vmem>>) semaphore(%arg14 : memref<!tpu.dma_semaphore, #tpu.memory_space<semaphore_mem>>)
          %dma_start3A_391 = arith.constant 640 : i32
          %dma_start3A_392 = tpu.memref_slice %arg8[%dma_start3A_391] : memref<1024xf32, #tpu.memory_space<vmem>> -> memref<128xf32, #tpu.memory_space<vmem>>
          %dma_start3A_393 = arith.constant 640 : i32
          %dma_start3A_394 = tpu.memref_slice %arg6[%add3A_355, %dma_start3A_393] : memref<50x1024xi32, #tpu.memory_space<vmem>> -> memref<1x128xi32, #tpu.memory_space<vmem>>
          %dma_start3A_395 = tpu.memref_squeeze %dma_start3A_394 : memref<1x128xi32, #tpu.memory_space<vmem>> -> memref<128xi32, #tpu.memory_space<vmem>>
          %dma_start3A_396 = arith.constant 0 : i32
          %dma_start3A_397 = tpu.memref_slice %arg10[%dma_start3A_396] : memref<1000000xf32, #tpu.memory_space<vmem_shared>> -> memref<1000000xf32, #tpu.memory_space<vmem_shared>>
          tpu.enqueue_indirect_dma source(%dma_start3A_397 : memref<1000000xf32, #tpu.memory_space<vmem_shared>>) target(%dma_start3A_392 : memref<128xf32, #tpu.memory_space<vmem>>) offsets(%dma_start3A_395 : memref<128xi32, #tpu.memory_space<vmem>>) semaphore(%arg14 : memref<!tpu.dma_semaphore, #tpu.memory_space<semaphore_mem>>)
          %dma_start3A_398 = arith.constant 768 : i32
          %dma_start3A_399 = tpu.memref_slice %arg8[%dma_start3A_398] : memref<1024xf32, #tpu.memory_space<vmem>> -> memref<128xf32, #tpu.memory_space<vmem>>
          %dma_start3A_400 = arith.constant 768 : i32
          %dma_start3A_401 = tpu.memref_slice %arg6[%add3A_355, %dma_start3A_400] : memref<50x1024xi32, #tpu.memory_space<vmem>> -> memref<1x128xi32, #tpu.memory_space<vmem>>
          %dma_start3A_402 = tpu.memref_squeeze %dma_start3A_401 : memref<1x128xi32, #tpu.memory_space<vmem>> -> memref<128xi32, #tpu.memory_space<vmem>>
          %dma_start3A_403 = arith.constant 0 : i32
          %dma_start3A_404 = tpu.memref_slice %arg10[%dma_start3A_403] : memref<1000000xf32, #tpu.memory_space<vmem_shared>> -> memref<1000000xf32, #tpu.memory_space<vmem_shared>>
          tpu.enqueue_indirect_dma source(%dma_start3A_404 : memref<1000000xf32, #tpu.memory_space<vmem_shared>>) target(%dma_start3A_399 : memref<128xf32, #tpu.memory_space<vmem>>) offsets(%dma_start3A_402 : memref<128xi32, #tpu.memory_space<vmem>>) semaphore(%arg14 : memref<!tpu.dma_semaphore, #tpu.memory_space<semaphore_mem>>)
          %dma_start3A_405 = arith.constant 896 : i32
          %dma_start3A_406 = tpu.memref_slice %arg8[%dma_start3A_405] : memref<1024xf32, #tpu.memory_space<vmem>> -> memref<128xf32, #tpu.memory_space<vmem>>
          %dma_start3A_407 = arith.constant 896 : i32
          %dma_start3A_408 = tpu.memref_slice %arg6[%add3A_355, %dma_start3A_407] : memref<50x1024xi32, #tpu.memory_space<vmem>> -> memref<1x128xi32, #tpu.memory_space<vmem>>
          %dma_start3A_409 = tpu.memref_squeeze %dma_start3A_408 : memref<1x128xi32, #tpu.memory_space<vmem>> -> memref<128xi32, #tpu.memory_space<vmem>>
          %dma_start3A_410 = arith.constant 0 : i32
          %dma_start3A_411 = tpu.memref_slice %arg10[%dma_start3A_410] : memref<1000000xf32, #tpu.memory_space<vmem_shared>> -> memref<1000000xf32, #tpu.memory_space<vmem_shared>>
          tpu.enqueue_indirect_dma source(%dma_start3A_411 : memref<1000000xf32, #tpu.memory_space<vmem_shared>>) target(%dma_start3A_406 : memref<128xf32, #tpu.memory_space<vmem>>) offsets(%dma_start3A_409 : memref<128xi32, #tpu.memory_space<vmem>>) semaphore(%arg14 : memref<!tpu.dma_semaphore, #tpu.memory_space<semaphore_mem>>)
        } else {
        }
        %dma_wait3A_214 = arith.constant 0 : i32
        %dma_wait3A_215 = tpu.memref_slice %arg7[%dma_wait3A_214] : memref<1024xf32, #tpu.memory_space<vmem>> -> memref<128xf32, #tpu.memory_space<vmem>>
        %dma_wait3A_216 = arith.constant 0 : i32
        %dma_wait3A_217 = tpu.memref_slice %arg6[%add3A_206, %dma_wait3A_216] : memref<50x1024xi32, #tpu.memory_space<vmem>> -> memref<1x128xi32, #tpu.memory_space<vmem>>
        %dma_wait3A_218 = tpu.memref_squeeze %dma_wait3A_217 : memref<1x128xi32, #tpu.memory_space<vmem>> -> memref<128xi32, #tpu.memory_space<vmem>>
        %dma_wait3A_219 = arith.constant 0 : i32
        %dma_wait3A_220 = tpu.memref_slice %arg10[%dma_wait3A_219] : memref<1000000xf32, #tpu.memory_space<vmem_shared>> -> memref<1000000xf32, #tpu.memory_space<vmem_shared>>
        tpu.wait_indirect_dma semaphore(%arg13 : memref<!tpu.dma_semaphore, #tpu.memory_space<semaphore_mem>>) src(%dma_wait3A_220 : memref<1000000xf32, #tpu.memory_space<vmem_shared>>) dst(%dma_wait3A_215 : memref<128xf32, #tpu.memory_space<vmem>>)
        %dma_wait3A_221 = arith.constant 128 : i32
        %dma_wait3A_222 = tpu.memref_slice %arg7[%dma_wait3A_221] : memref<1024xf32, #tpu.memory_space<vmem>> -> memref<128xf32, #tpu.memory_space<vmem>>
        %dma_wait3A_223 = arith.constant 128 : i32
        %dma_wait3A_224 = tpu.memref_slice %arg6[%add3A_206, %dma_wait3A_223] : memref<50x1024xi32, #tpu.memory_space<vmem>> -> memref<1x128xi32, #tpu.memory_space<vmem>>
        %dma_wait3A_225 = tpu.memref_squeeze %dma_wait3A_224 : memref<1x128xi32, #tpu.memory_space<vmem>> -> memref<128xi32, #tpu.memory_space<vmem>>
        %dma_wait3A_226 = arith.constant 0 : i32
        %dma_wait3A_227 = tpu.memref_slice %arg10[%dma_wait3A_226] : memref<1000000xf32, #tpu.memory_space<vmem_shared>> -> memref<1000000xf32, #tpu.memory_space<vmem_shared>>
        tpu.wait_indirect_dma semaphore(%arg13 : memref<!tpu.dma_semaphore, #tpu.memory_space<semaphore_mem>>) src(%dma_wait3A_227 : memref<1000000xf32, #tpu.memory_space<vmem_shared>>) dst(%dma_wait3A_222 : memref<128xf32, #tpu.memory_space<vmem>>)
        %dma_wait3A_228 = arith.constant 256 : i32
        %dma_wait3A_229 = tpu.memref_slice %arg7[%dma_wait3A_228] : memref<1024xf32, #tpu.memory_space<vmem>> -> memref<128xf32, #tpu.memory_space<vmem>>
        %dma_wait3A_230 = arith.constant 256 : i32
        %dma_wait3A_231 = tpu.memref_slice %arg6[%add3A_206, %dma_wait3A_230] : memref<50x1024xi32, #tpu.memory_space<vmem>> -> memref<1x128xi32, #tpu.memory_space<vmem>>
        %dma_wait3A_232 = tpu.memref_squeeze %dma_wait3A_231 : memref<1x128xi32, #tpu.memory_space<vmem>> -> memref<128xi32, #tpu.memory_space<vmem>>
        %dma_wait3A_233 = arith.constant 0 : i32
        %dma_wait3A_234 = tpu.memref_slice %arg10[%dma_wait3A_233] : memref<1000000xf32, #tpu.memory_space<vmem_shared>> -> memref<1000000xf32, #tpu.memory_space<vmem_shared>>
        tpu.wait_indirect_dma semaphore(%arg13 : memref<!tpu.dma_semaphore, #tpu.memory_space<semaphore_mem>>) src(%dma_wait3A_234 : memref<1000000xf32, #tpu.memory_space<vmem_shared>>) dst(%dma_wait3A_229 : memref<128xf32, #tpu.memory_space<vmem>>)
        %dma_wait3A_235 = arith.constant 384 : i32
        %dma_wait3A_236 = tpu.memref_slice %arg7[%dma_wait3A_235] : memref<1024xf32, #tpu.memory_space<vmem>> -> memref<128xf32, #tpu.memory_space<vmem>>
        %dma_wait3A_237 = arith.constant 384 : i32
        %dma_wait3A_238 = tpu.memref_slice %arg6[%add3A_206, %dma_wait3A_237] : memref<50x1024xi32, #tpu.memory_space<vmem>> -> memref<1x128xi32, #tpu.memory_space<vmem>>
        %dma_wait3A_239 = tpu.memref_squeeze %dma_wait3A_238 : memref<1x128xi32, #tpu.memory_space<vmem>> -> memref<128xi32, #tpu.memory_space<vmem>>
        %dma_wait3A_240 = arith.constant 0 : i32
        %dma_wait3A_241 = tpu.memref_slice %arg10[%dma_wait3A_240] : memref<1000000xf32, #tpu.memory_space<vmem_shared>> -> memref<1000000xf32, #tpu.memory_space<vmem_shared>>
        tpu.wait_indirect_dma semaphore(%arg13 : memref<!tpu.dma_semaphore, #tpu.memory_space<semaphore_mem>>) src(%dma_wait3A_241 : memref<1000000xf32, #tpu.memory_space<vmem_shared>>) dst(%dma_wait3A_236 : memref<128xf32, #tpu.memory_space<vmem>>)
        %dma_wait3A_242 = arith.constant 512 : i32
        %dma_wait3A_243 = tpu.memref_slice %arg7[%dma_wait3A_242] : memref<1024xf32, #tpu.memory_space<vmem>> -> memref<128xf32, #tpu.memory_space<vmem>>
        %dma_wait3A_244 = arith.constant 512 : i32
        %dma_wait3A_245 = tpu.memref_slice %arg6[%add3A_206, %dma_wait3A_244] : memref<50x1024xi32, #tpu.memory_space<vmem>> -> memref<1x128xi32, #tpu.memory_space<vmem>>
        %dma_wait3A_246 = tpu.memref_squeeze %dma_wait3A_245 : memref<1x128xi32, #tpu.memory_space<vmem>> -> memref<128xi32, #tpu.memory_space<vmem>>
        %dma_wait3A_247 = arith.constant 0 : i32
        %dma_wait3A_248 = tpu.memref_slice %arg10[%dma_wait3A_247] : memref<1000000xf32, #tpu.memory_space<vmem_shared>> -> memref<1000000xf32, #tpu.memory_space<vmem_shared>>
        tpu.wait_indirect_dma semaphore(%arg13 : memref<!tpu.dma_semaphore, #tpu.memory_space<semaphore_mem>>) src(%dma_wait3A_248 : memref<1000000xf32, #tpu.memory_space<vmem_shared>>) dst(%dma_wait3A_243 : memref<128xf32, #tpu.memory_space<vmem>>)
        %dma_wait3A_249 = arith.constant 640 : i32
        %dma_wait3A_250 = tpu.memref_slice %arg7[%dma_wait3A_249] : memref<1024xf32, #tpu.memory_space<vmem>> -> memref<128xf32, #tpu.memory_space<vmem>>
        %dma_wait3A_251 = arith.constant 640 : i32
        %dma_wait3A_252 = tpu.memref_slice %arg6[%add3A_206, %dma_wait3A_251] : memref<50x1024xi32, #tpu.memory_space<vmem>> -> memref<1x128xi32, #tpu.memory_space<vmem>>
        %dma_wait3A_253 = tpu.memref_squeeze %dma_wait3A_252 : memref<1x128xi32, #tpu.memory_space<vmem>> -> memref<128xi32, #tpu.memory_space<vmem>>
        %dma_wait3A_254 = arith.constant 0 : i32
        %dma_wait3A_255 = tpu.memref_slice %arg10[%dma_wait3A_254] : memref<1000000xf32, #tpu.memory_space<vmem_shared>> -> memref<1000000xf32, #tpu.memory_space<vmem_shared>>
        tpu.wait_indirect_dma semaphore(%arg13 : memref<!tpu.dma_semaphore, #tpu.memory_space<semaphore_mem>>) src(%dma_wait3A_255 : memref<1000000xf32, #tpu.memory_space<vmem_shared>>) dst(%dma_wait3A_250 : memref<128xf32, #tpu.memory_space<vmem>>)
        %dma_wait3A_256 = arith.constant 768 : i32
        %dma_wait3A_257 = tpu.memref_slice %arg7[%dma_wait3A_256] : memref<1024xf32, #tpu.memory_space<vmem>> -> memref<128xf32, #tpu.memory_space<vmem>>
        %dma_wait3A_258 = arith.constant 768 : i32
        %dma_wait3A_259 = tpu.memref_slice %arg6[%add3A_206, %dma_wait3A_258] : memref<50x1024xi32, #tpu.memory_space<vmem>> -> memref<1x128xi32, #tpu.memory_space<vmem>>
        %dma_wait3A_260 = tpu.memref_squeeze %dma_wait3A_259 : memref<1x128xi32, #tpu.memory_space<vmem>> -> memref<128xi32, #tpu.memory_space<vmem>>
        %dma_wait3A_261 = arith.constant 0 : i32
        %dma_wait3A_262 = tpu.memref_slice %arg10[%dma_wait3A_261] : memref<1000000xf32, #tpu.memory_space<vmem_shared>> -> memref<1000000xf32, #tpu.memory_space<vmem_shared>>
        tpu.wait_indirect_dma semaphore(%arg13 : memref<!tpu.dma_semaphore, #tpu.memory_space<semaphore_mem>>) src(%dma_wait3A_262 : memref<1000000xf32, #tpu.memory_space<vmem_shared>>) dst(%dma_wait3A_257 : memref<128xf32, #tpu.memory_space<vmem>>)
        %dma_wait3A_263 = arith.constant 896 : i32
        %dma_wait3A_264 = tpu.memref_slice %arg7[%dma_wait3A_263] : memref<1024xf32, #tpu.memory_space<vmem>> -> memref<128xf32, #tpu.memory_space<vmem>>
        %dma_wait3A_265 = arith.constant 896 : i32
        %dma_wait3A_266 = tpu.memref_slice %arg6[%add3A_206, %dma_wait3A_265] : memref<50x1024xi32, #tpu.memory_space<vmem>> -> memref<1x128xi32, #tpu.memory_space<vmem>>
        %dma_wait3A_267 = tpu.memref_squeeze %dma_wait3A_266 : memref<1x128xi32, #tpu.memory_space<vmem>> -> memref<128xi32, #tpu.memory_space<vmem>>
        %dma_wait3A_268 = arith.constant 0 : i32
        %dma_wait3A_269 = tpu.memref_slice %arg10[%dma_wait3A_268] : memref<1000000xf32, #tpu.memory_space<vmem_shared>> -> memref<1000000xf32, #tpu.memory_space<vmem_shared>>
        tpu.wait_indirect_dma semaphore(%arg13 : memref<!tpu.dma_semaphore, #tpu.memory_space<semaphore_mem>>) src(%dma_wait3A_269 : memref<1000000xf32, #tpu.memory_space<vmem_shared>>) dst(%dma_wait3A_264 : memref<128xf32, #tpu.memory_space<vmem>>)
        %parallel_loop3A = arith.constant 0 : i32
        %parallel_loop3A_270 = arith.constant 1024 : i32
        %parallel_loop3A_271 = arith.constant 16 : i32
        scf.for %parallel_loop3A_350 = %parallel_loop3A to %parallel_loop3A_270 step %parallel_loop3A_271  : i32 {
          %parallel_loop3A_351 = arith.index_cast %parallel_loop3A_350 : i32 to index
          %parallel_loop3A_352 = tpu.vector_load %arg7[%parallel_loop3A_351] {strides = array<i32>} : memref<1024xf32, #tpu.memory_space<vmem>>, vector<16xf32>,
          %parallel_loop3A_353 = vector.shape_cast %parallel_loop3A_352 : vector<16xf32> to vector<16xf32>
          %parallel_loop3A_354 = arith.constant 8.000000e+00 : f32
          %parallel_loop3A_355 = vector.broadcast %parallel_loop3A_354 : f32 to vector<16xf32>
          %parallel_loop3A_356 = arith.mulf %parallel_loop3A_353, %parallel_loop3A_355 : vector<16xf32>
          %parallel_loop3A_357 = arith.index_cast %parallel_loop3A_350 : i32 to index
          %parallel_loop3A_358 = tpu.vector_load %arg7[%parallel_loop3A_357] {strides = array<i32>} : memref<1024xf32, #tpu.memory_space<vmem>>, vector<16xf32>,
          %parallel_loop3A_359 = vector.shape_cast %parallel_loop3A_358 : vector<16xf32> to vector<16xf32>
          %parallel_loop3A_360 = vector.shape_cast %parallel_loop3A_356 : vector<16xf32> to vector<16xf32>
          tpu.vector_store %arg7[%parallel_loop3A_357], %parallel_loop3A_360 {strides = array<i32>} : memref<1024xf32, #tpu.memory_space<vmem>>, vector<16xf32>,
        } {sc.loop_unroll_factor = 4 : i64, sc.parallel_access}
        %add3A_272 = arith.addi %mul3A_0, %add3A_66 : i32
        %dma_start3A_273 = tpu.memref_slice %arg5[%add3A_206, %add3A_272, %mul3A_2] : memref<50x64x16384xf32, #tpu.memory_space<hbm>> -> memref<1x1x1024xf32, #tpu.memory_space<hbm>>
        %dma_start3A_274 = tpu.memref_squeeze %dma_start3A_273 : memref<1x1x1024xf32, #tpu.memory_space<hbm>> -> memref<1024xf32, #tpu.memory_space<hbm>>
        %dma_start3A_275 = tpu.memref_slice %arg5[%add3A_206, %add3A_272, %mul3A_2] : memref<50x64x16384xf32, #tpu.memory_space<hbm>> -> memref<1x1x1024xf32, #tpu.memory_space<hbm>>
        %dma_start3A_276 = tpu.memref_squeeze %dma_start3A_275 : memref<1x1x1024xf32, #tpu.memory_space<hbm>> -> memref<1024xf32, #tpu.memory_space<hbm>>
        tpu.enqueue_dma source(%arg7 : memref<1024xf32, #tpu.memory_space<vmem>>) target(%dma_start3A_276 : memref<1024xf32, #tpu.memory_space<hbm>>) target_semaphore(%arg15 : memref<!tpu.dma_semaphore, #tpu.memory_space<semaphore_mem>>)
        %add3A_277 = arith.constant 1 : i32
        %add3A_278 = arith.addi %add3A_204, %add3A_277 : i32
        %add3A_279 = arith.constant 1 : i32
        %add3A_280 = arith.addi %add3A_278, %add3A_279 : i32
        %lt3A_281 = arith.constant 50 : i32
        %lt3A_282 = arith.cmpi slt, %add3A_280, %lt3A_281 : i32
        %convert_element_type3A_283 = arith.extui %lt3A_282 : i1 to i32
        %cond3A_284 = arith.constant 0 : i32
        %cond3A_285 = arith.cmpi ne, %convert_element_type3A_283, %cond3A_284 : i32
        scf.if %cond3A_285 {
          %ge3A = arith.constant 1 : i32
          %ge3A_350 = arith.cmpi sge, %add3A_278, %ge3A : i32
          %convert_element_type3A_351 = arith.extui %ge3A_350 : i1 to i32
          %cond3A_352 = arith.constant 0 : i32
          %cond3A_353 = arith.cmpi ne, %convert_element_type3A_351, %cond3A_352 : i32
          scf.if %cond3A_353 {
            %sub3A = arith.constant 1 : i32
            %sub3A_412 = arith.subi %add3A_278, %sub3A : i32
            %add3A_413 = arith.addi %mul3A_0, %add3A_66 : i32
            %dma_wait3A_414 = tpu.memref_slice %arg5[%sub3A_412, %add3A_413, %mul3A_2] : memref<50x64x16384xf32, #tpu.memory_space<hbm>> -> memref<1x1x1024xf32, #tpu.memory_space<hbm>>
            %dma_wait3A_415 = tpu.memref_squeeze %dma_wait3A_414 : memref<1x1x1024xf32, #tpu.memory_space<hbm>> -> memref<1024xf32, #tpu.memory_space<hbm>>
            %dma_wait3A_416 = tpu.memref_slice %arg5[%sub3A_412, %add3A_413, %mul3A_2] : memref<50x64x16384xf32, #tpu.memory_space<hbm>> -> memref<1x1x1024xf32, #tpu.memory_space<hbm>>
            %dma_wait3A_417 = tpu.memref_squeeze %dma_wait3A_416 : memref<1x1x1024xf32, #tpu.memory_space<hbm>> -> memref<1024xf32, #tpu.memory_space<hbm>>
            tpu.wait_dma2 semaphore(%arg15 : memref<!tpu.dma_semaphore, #tpu.memory_space<semaphore_mem>>) src(%arg7 : memref<1024xf32, #tpu.memory_space<vmem>>) dst(%dma_wait3A_417 : memref<1024xf32, #tpu.memory_space<hbm>>)
          } else {
          }
          %add3A_354 = arith.constant 1 : i32
          %add3A_355 = arith.addi %add3A_278, %add3A_354 : i32
          %dma_start3A_356 = arith.constant 0 : i32
          %dma_start3A_357 = tpu.memref_slice %arg7[%dma_start3A_356] : memref<1024xf32, #tpu.memory_space<vmem>> -> memref<128xf32, #tpu.memory_space<vmem>>
          %dma_start3A_358 = arith.constant 0 : i32
          %dma_start3A_359 = tpu.memref_slice %arg6[%add3A_355, %dma_start3A_358] : memref<50x1024xi32, #tpu.memory_space<vmem>> -> memref<1x128xi32, #tpu.memory_space<vmem>>
          %dma_start3A_360 = tpu.memref_squeeze %dma_start3A_359 : memref<1x128xi32, #tpu.memory_space<vmem>> -> memref<128xi32, #tpu.memory_space<vmem>>
          %dma_start3A_361 = arith.constant 0 : i32
          %dma_start3A_362 = tpu.memref_slice %arg10[%dma_start3A_361] : memref<1000000xf32, #tpu.memory_space<vmem_shared>> -> memref<1000000xf32, #tpu.memory_space<vmem_shared>>
          tpu.enqueue_indirect_dma source(%dma_start3A_362 : memref<1000000xf32, #tpu.memory_space<vmem_shared>>) target(%dma_start3A_357 : memref<128xf32, #tpu.memory_space<vmem>>) offsets(%dma_start3A_360 : memref<128xi32, #tpu.memory_space<vmem>>) semaphore(%arg13 : memref<!tpu.dma_semaphore, #tpu.memory_space<semaphore_mem>>)
          %dma_start3A_363 = arith.constant 128 : i32
          %dma_start3A_364 = tpu.memref_slice %arg7[%dma_start3A_363] : memref<1024xf32, #tpu.memory_space<vmem>> -> memref<128xf32, #tpu.memory_space<vmem>>
          %dma_start3A_365 = arith.constant 128 : i32
          %dma_start3A_366 = tpu.memref_slice %arg6[%add3A_355, %dma_start3A_365] : memref<50x1024xi32, #tpu.memory_space<vmem>> -> memref<1x128xi32, #tpu.memory_space<vmem>>
          %dma_start3A_367 = tpu.memref_squeeze %dma_start3A_366 : memref<1x128xi32, #tpu.memory_space<vmem>> -> memref<128xi32, #tpu.memory_space<vmem>>
          %dma_start3A_368 = arith.constant 0 : i32
          %dma_start3A_369 = tpu.memref_slice %arg10[%dma_start3A_368] : memref<1000000xf32, #tpu.memory_space<vmem_shared>> -> memref<1000000xf32, #tpu.memory_space<vmem_shared>>
          tpu.enqueue_indirect_dma source(%dma_start3A_369 : memref<1000000xf32, #tpu.memory_space<vmem_shared>>) target(%dma_start3A_364 : memref<128xf32, #tpu.memory_space<vmem>>) offsets(%dma_start3A_367 : memref<128xi32, #tpu.memory_space<vmem>>) semaphore(%arg13 : memref<!tpu.dma_semaphore, #tpu.memory_space<semaphore_mem>>)
          %dma_start3A_370 = arith.constant 256 : i32
          %dma_start3A_371 = tpu.memref_slice %arg7[%dma_start3A_370] : memref<1024xf32, #tpu.memory_space<vmem>> -> memref<128xf32, #tpu.memory_space<vmem>>
          %dma_start3A_372 = arith.constant 256 : i32
          %dma_start3A_373 = tpu.memref_slice %arg6[%add3A_355, %dma_start3A_372] : memref<50x1024xi32, #tpu.memory_space<vmem>> -> memref<1x128xi32, #tpu.memory_space<vmem>>
          %dma_start3A_374 = tpu.memref_squeeze %dma_start3A_373 : memref<1x128xi32, #tpu.memory_space<vmem>> -> memref<128xi32, #tpu.memory_space<vmem>>
          %dma_start3A_375 = arith.constant 0 : i32
          %dma_start3A_376 = tpu.memref_slice %arg10[%dma_start3A_375] : memref<1000000xf32, #tpu.memory_space<vmem_shared>> -> memref<1000000xf32, #tpu.memory_space<vmem_shared>>
          tpu.enqueue_indirect_dma source(%dma_start3A_376 : memref<1000000xf32, #tpu.memory_space<vmem_shared>>) target(%dma_start3A_371 : memref<128xf32, #tpu.memory_space<vmem>>) offsets(%dma_start3A_374 : memref<128xi32, #tpu.memory_space<vmem>>) semaphore(%arg13 : memref<!tpu.dma_semaphore, #tpu.memory_space<semaphore_mem>>)
          %dma_start3A_377 = arith.constant 384 : i32
          %dma_start3A_378 = tpu.memref_slice %arg7[%dma_start3A_377] : memref<1024xf32, #tpu.memory_space<vmem>> -> memref<128xf32, #tpu.memory_space<vmem>>
          %dma_start3A_379 = arith.constant 384 : i32
          %dma_start3A_380 = tpu.memref_slice %arg6[%add3A_355, %dma_start3A_379] : memref<50x1024xi32, #tpu.memory_space<vmem>> -> memref<1x128xi32, #tpu.memory_space<vmem>>
          %dma_start3A_381 = tpu.memref_squeeze %dma_start3A_380 : memref<1x128xi32, #tpu.memory_space<vmem>> -> memref<128xi32, #tpu.memory_space<vmem>>
          %dma_start3A_382 = arith.constant 0 : i32
          %dma_start3A_383 = tpu.memref_slice %arg10[%dma_start3A_382] : memref<1000000xf32, #tpu.memory_space<vmem_shared>> -> memref<1000000xf32, #tpu.memory_space<vmem_shared>>
          tpu.enqueue_indirect_dma source(%dma_start3A_383 : memref<1000000xf32, #tpu.memory_space<vmem_shared>>) target(%dma_start3A_378 : memref<128xf32, #tpu.memory_space<vmem>>) offsets(%dma_start3A_381 : memref<128xi32, #tpu.memory_space<vmem>>) semaphore(%arg13 : memref<!tpu.dma_semaphore, #tpu.memory_space<semaphore_mem>>)
          %dma_start3A_384 = arith.constant 512 : i32
          %dma_start3A_385 = tpu.memref_slice %arg7[%dma_start3A_384] : memref<1024xf32, #tpu.memory_space<vmem>> -> memref<128xf32, #tpu.memory_space<vmem>>
          %dma_start3A_386 = arith.constant 512 : i32
          %dma_start3A_387 = tpu.memref_slice %arg6[%add3A_355, %dma_start3A_386] : memref<50x1024xi32, #tpu.memory_space<vmem>> -> memref<1x128xi32, #tpu.memory_space<vmem>>
          %dma_start3A_388 = tpu.memref_squeeze %dma_start3A_387 : memref<1x128xi32, #tpu.memory_space<vmem>> -> memref<128xi32, #tpu.memory_space<vmem>>
          %dma_start3A_389 = arith.constant 0 : i32
          %dma_start3A_390 = tpu.memref_slice %arg10[%dma_start3A_389] : memref<1000000xf32, #tpu.memory_space<vmem_shared>> -> memref<1000000xf32, #tpu.memory_space<vmem_shared>>
          tpu.enqueue_indirect_dma source(%dma_start3A_390 : memref<1000000xf32, #tpu.memory_space<vmem_shared>>) target(%dma_start3A_385 : memref<128xf32, #tpu.memory_space<vmem>>) offsets(%dma_start3A_388 : memref<128xi32, #tpu.memory_space<vmem>>) semaphore(%arg13 : memref<!tpu.dma_semaphore, #tpu.memory_space<semaphore_mem>>)
          %dma_start3A_391 = arith.constant 640 : i32
          %dma_start3A_392 = tpu.memref_slice %arg7[%dma_start3A_391] : memref<1024xf32, #tpu.memory_space<vmem>> -> memref<128xf32, #tpu.memory_space<vmem>>
          %dma_start3A_393 = arith.constant 640 : i32
          %dma_start3A_394 = tpu.memref_slice %arg6[%add3A_355, %dma_start3A_393] : memref<50x1024xi32, #tpu.memory_space<vmem>> -> memref<1x128xi32, #tpu.memory_space<vmem>>
          %dma_start3A_395 = tpu.memref_squeeze %dma_start3A_394 : memref<1x128xi32, #tpu.memory_space<vmem>> -> memref<128xi32, #tpu.memory_space<vmem>>
          %dma_start3A_396 = arith.constant 0 : i32
          %dma_start3A_397 = tpu.memref_slice %arg10[%dma_start3A_396] : memref<1000000xf32, #tpu.memory_space<vmem_shared>> -> memref<1000000xf32, #tpu.memory_space<vmem_shared>>
          tpu.enqueue_indirect_dma source(%dma_start3A_397 : memref<1000000xf32, #tpu.memory_space<vmem_shared>>) target(%dma_start3A_392 : memref<128xf32, #tpu.memory_space<vmem>>) offsets(%dma_start3A_395 : memref<128xi32, #tpu.memory_space<vmem>>) semaphore(%arg13 : memref<!tpu.dma_semaphore, #tpu.memory_space<semaphore_mem>>)
          %dma_start3A_398 = arith.constant 768 : i32
          %dma_start3A_399 = tpu.memref_slice %arg7[%dma_start3A_398] : memref<1024xf32, #tpu.memory_space<vmem>> -> memref<128xf32, #tpu.memory_space<vmem>>
          %dma_start3A_400 = arith.constant 768 : i32
          %dma_start3A_401 = tpu.memref_slice %arg6[%add3A_355, %dma_start3A_400] : memref<50x1024xi32, #tpu.memory_space<vmem>> -> memref<1x128xi32, #tpu.memory_space<vmem>>
          %dma_start3A_402 = tpu.memref_squeeze %dma_start3A_401 : memref<1x128xi32, #tpu.memory_space<vmem>> -> memref<128xi32, #tpu.memory_space<vmem>>
          %dma_start3A_403 = arith.constant 0 : i32
          %dma_start3A_404 = tpu.memref_slice %arg10[%dma_start3A_403] : memref<1000000xf32, #tpu.memory_space<vmem_shared>> -> memref<1000000xf32, #tpu.memory_space<vmem_shared>>
          tpu.enqueue_indirect_dma source(%dma_start3A_404 : memref<1000000xf32, #tpu.memory_space<vmem_shared>>) target(%dma_start3A_399 : memref<128xf32, #tpu.memory_space<vmem>>) offsets(%dma_start3A_402 : memref<128xi32, #tpu.memory_space<vmem>>) semaphore(%arg13 : memref<!tpu.dma_semaphore, #tpu.memory_space<semaphore_mem>>)
          %dma_start3A_405 = arith.constant 896 : i32
          %dma_start3A_406 = tpu.memref_slice %arg7[%dma_start3A_405] : memref<1024xf32, #tpu.memory_space<vmem>> -> memref<128xf32, #tpu.memory_space<vmem>>
          %dma_start3A_407 = arith.constant 896 : i32
          %dma_start3A_408 = tpu.memref_slice %arg6[%add3A_355, %dma_start3A_407] : memref<50x1024xi32, #tpu.memory_space<vmem>> -> memref<1x128xi32, #tpu.memory_space<vmem>>
          %dma_start3A_409 = tpu.memref_squeeze %dma_start3A_408 : memref<1x128xi32, #tpu.memory_space<vmem>> -> memref<128xi32, #tpu.memory_space<vmem>>
          %dma_start3A_410 = arith.constant 0 : i32
          %dma_start3A_411 = tpu.memref_slice %arg10[%dma_start3A_410] : memref<1000000xf32, #tpu.memory_space<vmem_shared>> -> memref<1000000xf32, #tpu.memory_space<vmem_shared>>
          tpu.enqueue_indirect_dma source(%dma_start3A_411 : memref<1000000xf32, #tpu.memory_space<vmem_shared>>) target(%dma_start3A_406 : memref<128xf32, #tpu.memory_space<vmem>>) offsets(%dma_start3A_409 : memref<128xi32, #tpu.memory_space<vmem>>) semaphore(%arg13 : memref<!tpu.dma_semaphore, #tpu.memory_space<semaphore_mem>>)
        } else {
        }
        %dma_wait3A_286 = arith.constant 0 : i32
        %dma_wait3A_287 = tpu.memref_slice %arg8[%dma_wait3A_286] : memref<1024xf32, #tpu.memory_space<vmem>> -> memref<128xf32, #tpu.memory_space<vmem>>
        %dma_wait3A_288 = arith.constant 0 : i32
        %dma_wait3A_289 = tpu.memref_slice %arg6[%add3A_278, %dma_wait3A_288] : memref<50x1024xi32, #tpu.memory_space<vmem>> -> memref<1x128xi32, #tpu.memory_space<vmem>>
        %dma_wait3A_290 = tpu.memref_squeeze %dma_wait3A_289 : memref<1x128xi32, #tpu.memory_space<vmem>> -> memref<128xi32, #tpu.memory_space<vmem>>
        %dma_wait3A_291 = arith.constant 0 : i32
        %dma_wait3A_292 = tpu.memref_slice %arg10[%dma_wait3A_291] : memref<1000000xf32, #tpu.memory_space<vmem_shared>> -> memref<1000000xf32, #tpu.memory_space<vmem_shared>>
        tpu.wait_indirect_dma semaphore(%arg14 : memref<!tpu.dma_semaphore, #tpu.memory_space<semaphore_mem>>) src(%dma_wait3A_292 : memref<1000000xf32, #tpu.memory_space<vmem_shared>>) dst(%dma_wait3A_287 : memref<128xf32, #tpu.memory_space<vmem>>)
        %dma_wait3A_293 = arith.constant 128 : i32
        %dma_wait3A_294 = tpu.memref_slice %arg8[%dma_wait3A_293] : memref<1024xf32, #tpu.memory_space<vmem>> -> memref<128xf32, #tpu.memory_space<vmem>>
        %dma_wait3A_295 = arith.constant 128 : i32
        %dma_wait3A_296 = tpu.memref_slice %arg6[%add3A_278, %dma_wait3A_295] : memref<50x1024xi32, #tpu.memory_space<vmem>> -> memref<1x128xi32, #tpu.memory_space<vmem>>
        %dma_wait3A_297 = tpu.memref_squeeze %dma_wait3A_296 : memref<1x128xi32, #tpu.memory_space<vmem>> -> memref<128xi32, #tpu.memory_space<vmem>>
        %dma_wait3A_298 = arith.constant 0 : i32
        %dma_wait3A_299 = tpu.memref_slice %arg10[%dma_wait3A_298] : memref<1000000xf32, #tpu.memory_space<vmem_shared>> -> memref<1000000xf32, #tpu.memory_space<vmem_shared>>
        tpu.wait_indirect_dma semaphore(%arg14 : memref<!tpu.dma_semaphore, #tpu.memory_space<semaphore_mem>>) src(%dma_wait3A_299 : memref<1000000xf32, #tpu.memory_space<vmem_shared>>) dst(%dma_wait3A_294 : memref<128xf32, #tpu.memory_space<vmem>>)
        %dma_wait3A_300 = arith.constant 256 : i32
        %dma_wait3A_301 = tpu.memref_slice %arg8[%dma_wait3A_300] : memref<1024xf32, #tpu.memory_space<vmem>> -> memref<128xf32, #tpu.memory_space<vmem>>
        %dma_wait3A_302 = arith.constant 256 : i32
        %dma_wait3A_303 = tpu.memref_slice %arg6[%add3A_278, %dma_wait3A_302] : memref<50x1024xi32, #tpu.memory_space<vmem>> -> memref<1x128xi32, #tpu.memory_space<vmem>>
        %dma_wait3A_304 = tpu.memref_squeeze %dma_wait3A_303 : memref<1x128xi32, #tpu.memory_space<vmem>> -> memref<128xi32, #tpu.memory_space<vmem>>
        %dma_wait3A_305 = arith.constant 0 : i32
        %dma_wait3A_306 = tpu.memref_slice %arg10[%dma_wait3A_305] : memref<1000000xf32, #tpu.memory_space<vmem_shared>> -> memref<1000000xf32, #tpu.memory_space<vmem_shared>>
        tpu.wait_indirect_dma semaphore(%arg14 : memref<!tpu.dma_semaphore, #tpu.memory_space<semaphore_mem>>) src(%dma_wait3A_306 : memref<1000000xf32, #tpu.memory_space<vmem_shared>>) dst(%dma_wait3A_301 : memref<128xf32, #tpu.memory_space<vmem>>)
        %dma_wait3A_307 = arith.constant 384 : i32
        %dma_wait3A_308 = tpu.memref_slice %arg8[%dma_wait3A_307] : memref<1024xf32, #tpu.memory_space<vmem>> -> memref<128xf32, #tpu.memory_space<vmem>>
        %dma_wait3A_309 = arith.constant 384 : i32
        %dma_wait3A_310 = tpu.memref_slice %arg6[%add3A_278, %dma_wait3A_309] : memref<50x1024xi32, #tpu.memory_space<vmem>> -> memref<1x128xi32, #tpu.memory_space<vmem>>
        %dma_wait3A_311 = tpu.memref_squeeze %dma_wait3A_310 : memref<1x128xi32, #tpu.memory_space<vmem>> -> memref<128xi32, #tpu.memory_space<vmem>>
        %dma_wait3A_312 = arith.constant 0 : i32
        %dma_wait3A_313 = tpu.memref_slice %arg10[%dma_wait3A_312] : memref<1000000xf32, #tpu.memory_space<vmem_shared>> -> memref<1000000xf32, #tpu.memory_space<vmem_shared>>
        tpu.wait_indirect_dma semaphore(%arg14 : memref<!tpu.dma_semaphore, #tpu.memory_space<semaphore_mem>>) src(%dma_wait3A_313 : memref<1000000xf32, #tpu.memory_space<vmem_shared>>) dst(%dma_wait3A_308 : memref<128xf32, #tpu.memory_space<vmem>>)
        %dma_wait3A_314 = arith.constant 512 : i32
        %dma_wait3A_315 = tpu.memref_slice %arg8[%dma_wait3A_314] : memref<1024xf32, #tpu.memory_space<vmem>> -> memref<128xf32, #tpu.memory_space<vmem>>
        %dma_wait3A_316 = arith.constant 512 : i32
        %dma_wait3A_317 = tpu.memref_slice %arg6[%add3A_278, %dma_wait3A_316] : memref<50x1024xi32, #tpu.memory_space<vmem>> -> memref<1x128xi32, #tpu.memory_space<vmem>>
        %dma_wait3A_318 = tpu.memref_squeeze %dma_wait3A_317 : memref<1x128xi32, #tpu.memory_space<vmem>> -> memref<128xi32, #tpu.memory_space<vmem>>
        %dma_wait3A_319 = arith.constant 0 : i32
        %dma_wait3A_320 = tpu.memref_slice %arg10[%dma_wait3A_319] : memref<1000000xf32, #tpu.memory_space<vmem_shared>> -> memref<1000000xf32, #tpu.memory_space<vmem_shared>>
        tpu.wait_indirect_dma semaphore(%arg14 : memref<!tpu.dma_semaphore, #tpu.memory_space<semaphore_mem>>) src(%dma_wait3A_320 : memref<1000000xf32, #tpu.memory_space<vmem_shared>>) dst(%dma_wait3A_315 : memref<128xf32, #tpu.memory_space<vmem>>)
        %dma_wait3A_321 = arith.constant 640 : i32
        %dma_wait3A_322 = tpu.memref_slice %arg8[%dma_wait3A_321] : memref<1024xf32, #tpu.memory_space<vmem>> -> memref<128xf32, #tpu.memory_space<vmem>>
        %dma_wait3A_323 = arith.constant 640 : i32
        %dma_wait3A_324 = tpu.memref_slice %arg6[%add3A_278, %dma_wait3A_323] : memref<50x1024xi32, #tpu.memory_space<vmem>> -> memref<1x128xi32, #tpu.memory_space<vmem>>
        %dma_wait3A_325 = tpu.memref_squeeze %dma_wait3A_324 : memref<1x128xi32, #tpu.memory_space<vmem>> -> memref<128xi32, #tpu.memory_space<vmem>>
        %dma_wait3A_326 = arith.constant 0 : i32
        %dma_wait3A_327 = tpu.memref_slice %arg10[%dma_wait3A_326] : memref<1000000xf32, #tpu.memory_space<vmem_shared>> -> memref<1000000xf32, #tpu.memory_space<vmem_shared>>
        tpu.wait_indirect_dma semaphore(%arg14 : memref<!tpu.dma_semaphore, #tpu.memory_space<semaphore_mem>>) src(%dma_wait3A_327 : memref<1000000xf32, #tpu.memory_space<vmem_shared>>) dst(%dma_wait3A_322 : memref<128xf32, #tpu.memory_space<vmem>>)
        %dma_wait3A_328 = arith.constant 768 : i32
        %dma_wait3A_329 = tpu.memref_slice %arg8[%dma_wait3A_328] : memref<1024xf32, #tpu.memory_space<vmem>> -> memref<128xf32, #tpu.memory_space<vmem>>
        %dma_wait3A_330 = arith.constant 768 : i32
        %dma_wait3A_331 = tpu.memref_slice %arg6[%add3A_278, %dma_wait3A_330] : memref<50x1024xi32, #tpu.memory_space<vmem>> -> memref<1x128xi32, #tpu.memory_space<vmem>>
        %dma_wait3A_332 = tpu.memref_squeeze %dma_wait3A_331 : memref<1x128xi32, #tpu.memory_space<vmem>> -> memref<128xi32, #tpu.memory_space<vmem>>
        %dma_wait3A_333 = arith.constant 0 : i32
        %dma_wait3A_334 = tpu.memref_slice %arg10[%dma_wait3A_333] : memref<1000000xf32, #tpu.memory_space<vmem_shared>> -> memref<1000000xf32, #tpu.memory_space<vmem_shared>>
        tpu.wait_indirect_dma semaphore(%arg14 : memref<!tpu.dma_semaphore, #tpu.memory_space<semaphore_mem>>) src(%dma_wait3A_334 : memref<1000000xf32, #tpu.memory_space<vmem_shared>>) dst(%dma_wait3A_329 : memref<128xf32, #tpu.memory_space<vmem>>)
        %dma_wait3A_335 = arith.constant 896 : i32
        %dma_wait3A_336 = tpu.memref_slice %arg8[%dma_wait3A_335] : memref<1024xf32, #tpu.memory_space<vmem>> -> memref<128xf32, #tpu.memory_space<vmem>>
        %dma_wait3A_337 = arith.constant 896 : i32
        %dma_wait3A_338 = tpu.memref_slice %arg6[%add3A_278, %dma_wait3A_337] : memref<50x1024xi32, #tpu.memory_space<vmem>> -> memref<1x128xi32, #tpu.memory_space<vmem>>
        %dma_wait3A_339 = tpu.memref_squeeze %dma_wait3A_338 : memref<1x128xi32, #tpu.memory_space<vmem>> -> memref<128xi32, #tpu.memory_space<vmem>>
        %dma_wait3A_340 = arith.constant 0 : i32
        %dma_wait3A_341 = tpu.memref_slice %arg10[%dma_wait3A_340] : memref<1000000xf32, #tpu.memory_space<vmem_shared>> -> memref<1000000xf32, #tpu.memory_space<vmem_shared>>
        tpu.wait_indirect_dma semaphore(%arg14 : memref<!tpu.dma_semaphore, #tpu.memory_space<semaphore_mem>>) src(%dma_wait3A_341 : memref<1000000xf32, #tpu.memory_space<vmem_shared>>) dst(%dma_wait3A_336 : memref<128xf32, #tpu.memory_space<vmem>>)
        %parallel_loop3A_342 = arith.constant 0 : i32
        %parallel_loop3A_343 = arith.constant 1024 : i32
        %parallel_loop3A_344 = arith.constant 16 : i32
        scf.for %parallel_loop3A_350 = %parallel_loop3A_342 to %parallel_loop3A_343 step %parallel_loop3A_344  : i32 {
          %parallel_loop3A_351 = arith.index_cast %parallel_loop3A_350 : i32 to index
          %parallel_loop3A_352 = tpu.vector_load %arg8[%parallel_loop3A_351] {strides = array<i32>} : memref<1024xf32, #tpu.memory_space<vmem>>, vector<16xf32>,
          %parallel_loop3A_353 = vector.shape_cast %parallel_loop3A_352 : vector<16xf32> to vector<16xf32>
          %parallel_loop3A_354 = arith.constant 8.000000e+00 : f32
          %parallel_loop3A_355 = vector.broadcast %parallel_loop3A_354 : f32 to vector<16xf32>
          %parallel_loop3A_356 = arith.mulf %parallel_loop3A_353, %parallel_loop3A_355 : vector<16xf32>
          %parallel_loop3A_357 = arith.index_cast %parallel_loop3A_350 : i32 to index
          %parallel_loop3A_358 = tpu.vector_load %arg8[%parallel_loop3A_357] {strides = array<i32>} : memref<1024xf32, #tpu.memory_space<vmem>>, vector<16xf32>,
          %parallel_loop3A_359 = vector.shape_cast %parallel_loop3A_358 : vector<16xf32> to vector<16xf32>
          %parallel_loop3A_360 = vector.shape_cast %parallel_loop3A_356 : vector<16xf32> to vector<16xf32>
          tpu.vector_store %arg8[%parallel_loop3A_357], %parallel_loop3A_360 {strides = array<i32>} : memref<1024xf32, #tpu.memory_space<vmem>>, vector<16xf32>,
        } {sc.loop_unroll_factor = 4 : i64, sc.parallel_access}
        %add3A_345 = arith.addi %mul3A_0, %add3A_66 : i32
        %dma_start3A_346 = tpu.memref_slice %arg5[%add3A_278, %add3A_345, %mul3A_2] : memref<50x64x16384xf32, #tpu.memory_space<hbm>> -> memref<1x1x1024xf32, #tpu.memory_space<hbm>>
        %dma_start3A_347 = tpu.memref_squeeze %dma_start3A_346 : memref<1x1x1024xf32, #tpu.memory_space<hbm>> -> memref<1024xf32, #tpu.memory_space<hbm>>
        %dma_start3A_348 = tpu.memref_slice %arg5[%add3A_278, %add3A_345, %mul3A_2] : memref<50x64x16384xf32, #tpu.memory_space<hbm>> -> memref<1x1x1024xf32, #tpu.memory_space<hbm>>
        %dma_start3A_349 = tpu.memref_squeeze %dma_start3A_348 : memref<1x1x1024xf32, #tpu.memory_space<hbm>> -> memref<1024xf32, #tpu.memory_space<hbm>>
        tpu.enqueue_dma source(%arg8 : memref<1024xf32, #tpu.memory_space<vmem>>) target(%dma_start3A_349 : memref<1024xf32, #tpu.memory_space<hbm>>) target_semaphore(%arg16 : memref<!tpu.dma_semaphore, #tpu.memory_space<semaphore_mem>>)
      }
      %scan3A_180 = arith.constant 25 : i32
      %add3A_181 = arith.addi %mul3A_0, %add3A_66 : i32
      %dma_wait3A_182 = arith.constant 48 : i32
      %dma_wait3A_183 = tpu.memref_slice %arg5[%dma_wait3A_182, %add3A_181, %mul3A_2] : memref<50x64x16384xf32, #tpu.memory_space<hbm>> -> memref<1x1x1024xf32, #tpu.memory_space<hbm>>
      %dma_wait3A_184 = tpu.memref_squeeze %dma_wait3A_183 : memref<1x1x1024xf32, #tpu.memory_space<hbm>> -> memref<1024xf32, #tpu.memory_space<hbm>>
      %dma_wait3A_185 = tpu.memref_slice %arg5[%dma_wait3A_182, %add3A_181, %mul3A_2] : memref<50x64x16384xf32, #tpu.memory_space<hbm>> -> memref<1x1x1024xf32, #tpu.memory_space<hbm>>
      %dma_wait3A_186 = tpu.memref_squeeze %dma_wait3A_185 : memref<1x1x1024xf32, #tpu.memory_space<hbm>> -> memref<1024xf32, #tpu.memory_space<hbm>>
      tpu.wait_dma2 semaphore(%arg15 : memref<!tpu.dma_semaphore, #tpu.memory_space<semaphore_mem>>) src(%arg7 : memref<1024xf32, #tpu.memory_space<vmem>>) dst(%dma_wait3A_186 : memref<1024xf32, #tpu.memory_space<hbm>>)
      %add3A_187 = arith.addi %mul3A_0, %add3A_66 : i32
      %dma_wait3A_188 = arith.constant 49 : i32
      %dma_wait3A_189 = tpu.memref_slice %arg5[%dma_wait3A_188, %add3A_187, %mul3A_2] : memref<50x64x16384xf32, #tpu.memory_space<hbm>> -> memref<1x1x1024xf32, #tpu.memory_space<hbm>>
      %dma_wait3A_190 = tpu.memref_squeeze %dma_wait3A_189 : memref<1x1x1024xf32, #tpu.memory_space<hbm>> -> memref<1024xf32, #tpu.memory_space<hbm>>
      %dma_wait3A_191 = tpu.memref_slice %arg5[%dma_wait3A_188, %add3A_187, %mul3A_2] : memref<50x64x16384xf32, #tpu.memory_space<hbm>> -> memref<1x1x1024xf32, #tpu.memory_space<hbm>>
      %dma_wait3A_192 = tpu.memref_squeeze %dma_wait3A_191 : memref<1x1x1024xf32, #tpu.memory_space<hbm>> -> memref<1024xf32, #tpu.memory_space<hbm>>
      tpu.wait_dma2 semaphore(%arg16 : memref<!tpu.dma_semaphore, #tpu.memory_space<semaphore_mem>>) src(%arg8 : memref<1024xf32, #tpu.memory_space<vmem>>) dst(%dma_wait3A_192 : memref<1024xf32, #tpu.memory_space<hbm>>)
      %barrier3A_193 = arith.constant 0 : index
      tpu.barrier barrier_id(%barrier3A_193)
      %add3A_194 = arith.constant 1 : i32
      %add3A_195 = arith.addi %add3A_66, %add3A_194 : i32
      %lt3A = arith.constant 32 : i32
      %lt3A_196 = arith.cmpi slt, %add3A_195, %lt3A : i32
      %convert_element_type3A_197 = arith.extui %lt3A_196 : i1 to i32
      %cond3A_198 = arith.constant 0 : i32
      %cond3A_199 = arith.cmpi ne, %convert_element_type3A_197, %cond3A_198 : i32
      scf.if %cond3A_199 {
        %add3A_200 = arith.constant 1 : i32
        %add3A_201 = arith.addi %add3A_66, %add3A_200 : i32
        %eq3A_202 = arith.constant 0 : i32
        %eq3A_203 = arith.cmpi eq, %arg1, %eq3A_202 : i32
        %convert_element_type3A_204 = arith.extui %eq3A_203 : i1 to i32
        %cond3A_205 = arith.constant 0 : i32
        %cond3A_206 = arith.cmpi ne, %convert_element_type3A_204, %cond3A_205 : i32
        scf.if %cond3A_206 {
          %add3A_247 = arith.addi %mul3A_0, %add3A_201 : i32
          %dma_start3A_248 = arith.constant 0 : i32
          %dma_start3A_249 = tpu.memref_slice %arg10[%dma_start3A_248] : memref<1000000xf32, #tpu.memory_space<vmem_shared>> -> memref<125056xf32, #tpu.memory_space<vmem_shared>>
          %dma_start3A_250 = arith.constant 0 : i32
          %dma_start3A_251 = tpu.memref_slice %arg3[%add3A_247, %dma_start3A_250] : memref<64x1000000xf32, #tpu.memory_space<hbm>> -> memref<1x1000000xf32, #tpu.memory_space<hbm>>
          %dma_start3A_252 = tpu.memref_squeeze %dma_start3A_251 : memref<1x1000000xf32, #tpu.memory_space<hbm>> -> memref<1000000xf32, #tpu.memory_space<hbm>>
          %dma_start3A_253 = arith.constant 0 : i32
          %dma_start3A_254 = tpu.memref_slice %dma_start3A_252[%dma_start3A_253] : memref<1000000xf32, #tpu.memory_space<hbm>> -> memref<125056xf32, #tpu.memory_space<hbm>>
          tpu.enqueue_dma source(%dma_start3A_254 : memref<125056xf32, #tpu.memory_space<hbm>>) target(%dma_start3A_249 : memref<125056xf32, #tpu.memory_space<vmem_shared>>) target_semaphore(%arg12 : memref<!tpu.dma_semaphore, #tpu.memory_space<semaphore_mem>>)
        } else {
        }
        %eq3A_207 = arith.constant 1 : i32
        %eq3A_208 = arith.cmpi eq, %arg1, %eq3A_207 : i32
        %convert_element_type3A_209 = arith.extui %eq3A_208 : i1 to i32
        %cond3A_210 = arith.constant 0 : i32
        %cond3A_211 = arith.cmpi ne, %convert_element_type3A_209, %cond3A_210 : i32
        scf.if %cond3A_211 {
          %add3A_247 = arith.addi %mul3A_0, %add3A_201 : i32
          %dma_start3A_248 = arith.constant 125056 : i32
          %dma_start3A_249 = tpu.memref_slice %arg10[%dma_start3A_248] : memref<1000000xf32, #tpu.memory_space<vmem_shared>> -> memref<125056xf32, #tpu.memory_space<vmem_shared>>
          %dma_start3A_250 = arith.constant 0 : i32
          %dma_start3A_251 = tpu.memref_slice %arg3[%add3A_247, %dma_start3A_250] : memref<64x1000000xf32, #tpu.memory_space<hbm>> -> memref<1x1000000xf32, #tpu.memory_space<hbm>>
          %dma_start3A_252 = tpu.memref_squeeze %dma_start3A_251 : memref<1x1000000xf32, #tpu.memory_space<hbm>> -> memref<1000000xf32, #tpu.memory_space<hbm>>
          %dma_start3A_253 = arith.constant 125056 : i32
          %dma_start3A_254 = tpu.memref_slice %dma_start3A_252[%dma_start3A_253] : memref<1000000xf32, #tpu.memory_space<hbm>> -> memref<125056xf32, #tpu.memory_space<hbm>>
          tpu.enqueue_dma source(%dma_start3A_254 : memref<125056xf32, #tpu.memory_space<hbm>>) target(%dma_start3A_249 : memref<125056xf32, #tpu.memory_space<vmem_shared>>) target_semaphore(%arg12 : memref<!tpu.dma_semaphore, #tpu.memory_space<semaphore_mem>>)
        } else {
        }
        %eq3A_212 = arith.constant 2 : i32
        %eq3A_213 = arith.cmpi eq, %arg1, %eq3A_212 : i32
        %convert_element_type3A_214 = arith.extui %eq3A_213 : i1 to i32
        %cond3A_215 = arith.constant 0 : i32
        %cond3A_216 = arith.cmpi ne, %convert_element_type3A_214, %cond3A_215 : i32
        scf.if %cond3A_216 {
          %add3A_247 = arith.addi %mul3A_0, %add3A_201 : i32
          %dma_start3A_248 = arith.constant 250112 : i32
          %dma_start3A_249 = tpu.memref_slice %arg10[%dma_start3A_248] : memref<1000000xf32, #tpu.memory_space<vmem_shared>> -> memref<125056xf32, #tpu.memory_space<vmem_shared>>
          %dma_start3A_250 = arith.constant 0 : i32
          %dma_start3A_251 = tpu.memref_slice %arg3[%add3A_247, %dma_start3A_250] : memref<64x1000000xf32, #tpu.memory_space<hbm>> -> memref<1x1000000xf32, #tpu.memory_space<hbm>>
          %dma_start3A_252 = tpu.memref_squeeze %dma_start3A_251 : memref<1x1000000xf32, #tpu.memory_space<hbm>> -> memref<1000000xf32, #tpu.memory_space<hbm>>
          %dma_start3A_253 = arith.constant 250112 : i32
          %dma_start3A_254 = tpu.memref_slice %dma_start3A_252[%dma_start3A_253] : memref<1000000xf32, #tpu.memory_space<hbm>> -> memref<125056xf32, #tpu.memory_space<hbm>>
          tpu.enqueue_dma source(%dma_start3A_254 : memref<125056xf32, #tpu.memory_space<hbm>>) target(%dma_start3A_249 : memref<125056xf32, #tpu.memory_space<vmem_shared>>) target_semaphore(%arg12 : memref<!tpu.dma_semaphore, #tpu.memory_space<semaphore_mem>>)
        } else {
        }
        %eq3A_217 = arith.constant 3 : i32
        %eq3A_218 = arith.cmpi eq, %arg1, %eq3A_217 : i32
        %convert_element_type3A_219 = arith.extui %eq3A_218 : i1 to i32
        %cond3A_220 = arith.constant 0 : i32
        %cond3A_221 = arith.cmpi ne, %convert_element_type3A_219, %cond3A_220 : i32
        scf.if %cond3A_221 {
          %add3A_247 = arith.addi %mul3A_0, %add3A_201 : i32
          %dma_start3A_248 = arith.constant 375168 : i32
          %dma_start3A_249 = tpu.memref_slice %arg10[%dma_start3A_248] : memref<1000000xf32, #tpu.memory_space<vmem_shared>> -> memref<125056xf32, #tpu.memory_space<vmem_shared>>
          %dma_start3A_250 = arith.constant 0 : i32
          %dma_start3A_251 = tpu.memref_slice %arg3[%add3A_247, %dma_start3A_250] : memref<64x1000000xf32, #tpu.memory_space<hbm>> -> memref<1x1000000xf32, #tpu.memory_space<hbm>>
          %dma_start3A_252 = tpu.memref_squeeze %dma_start3A_251 : memref<1x1000000xf32, #tpu.memory_space<hbm>> -> memref<1000000xf32, #tpu.memory_space<hbm>>
          %dma_start3A_253 = arith.constant 375168 : i32
          %dma_start3A_254 = tpu.memref_slice %dma_start3A_252[%dma_start3A_253] : memref<1000000xf32, #tpu.memory_space<hbm>> -> memref<125056xf32, #tpu.memory_space<hbm>>
          tpu.enqueue_dma source(%dma_start3A_254 : memref<125056xf32, #tpu.memory_space<hbm>>) target(%dma_start3A_249 : memref<125056xf32, #tpu.memory_space<vmem_shared>>) target_semaphore(%arg12 : memref<!tpu.dma_semaphore, #tpu.memory_space<semaphore_mem>>)
        } else {
        }
        %eq3A_222 = arith.constant 4 : i32
        %eq3A_223 = arith.cmpi eq, %arg1, %eq3A_222 : i32
        %convert_element_type3A_224 = arith.extui %eq3A_223 : i1 to i32
        %cond3A_225 = arith.constant 0 : i32
        %cond3A_226 = arith.cmpi ne, %convert_element_type3A_224, %cond3A_225 : i32
        scf.if %cond3A_226 {
          %add3A_247 = arith.addi %mul3A_0, %add3A_201 : i32
          %dma_start3A_248 = arith.constant 500224 : i32
          %dma_start3A_249 = tpu.memref_slice %arg10[%dma_start3A_248] : memref<1000000xf32, #tpu.memory_space<vmem_shared>> -> memref<124928xf32, #tpu.memory_space<vmem_shared>>
          %dma_start3A_250 = arith.constant 0 : i32
          %dma_start3A_251 = tpu.memref_slice %arg3[%add3A_247, %dma_start3A_250] : memref<64x1000000xf32, #tpu.memory_space<hbm>> -> memref<1x1000000xf32, #tpu.memory_space<hbm>>
          %dma_start3A_252 = tpu.memref_squeeze %dma_start3A_251 : memref<1x1000000xf32, #tpu.memory_space<hbm>> -> memref<1000000xf32, #tpu.memory_space<hbm>>
          %dma_start3A_253 = arith.constant 500224 : i32
          %dma_start3A_254 = tpu.memref_slice %dma_start3A_252[%dma_start3A_253] : memref<1000000xf32, #tpu.memory_space<hbm>> -> memref<124928xf32, #tpu.memory_space<hbm>>
          tpu.enqueue_dma source(%dma_start3A_254 : memref<124928xf32, #tpu.memory_space<hbm>>) target(%dma_start3A_249 : memref<124928xf32, #tpu.memory_space<vmem_shared>>) target_semaphore(%arg12 : memref<!tpu.dma_semaphore, #tpu.memory_space<semaphore_mem>>)
        } else {
        }
        %eq3A_227 = arith.constant 5 : i32
        %eq3A_228 = arith.cmpi eq, %arg1, %eq3A_227 : i32
        %convert_element_type3A_229 = arith.extui %eq3A_228 : i1 to i32
        %cond3A_230 = arith.constant 0 : i32
        %cond3A_231 = arith.cmpi ne, %convert_element_type3A_229, %cond3A_230 : i32
        scf.if %cond3A_231 {
          %add3A_247 = arith.addi %mul3A_0, %add3A_201 : i32
          %dma_start3A_248 = arith.constant 625152 : i32
          %dma_start3A_249 = tpu.memref_slice %arg10[%dma_start3A_248] : memref<1000000xf32, #tpu.memory_space<vmem_shared>> -> memref<124928xf32, #tpu.memory_space<vmem_shared>>
          %dma_start3A_250 = arith.constant 0 : i32
          %dma_start3A_251 = tpu.memref_slice %arg3[%add3A_247, %dma_start3A_250] : memref<64x1000000xf32, #tpu.memory_space<hbm>> -> memref<1x1000000xf32, #tpu.memory_space<hbm>>
          %dma_start3A_252 = tpu.memref_squeeze %dma_start3A_251 : memref<1x1000000xf32, #tpu.memory_space<hbm>> -> memref<1000000xf32, #tpu.memory_space<hbm>>
          %dma_start3A_253 = arith.constant 625152 : i32
          %dma_start3A_254 = tpu.memref_slice %dma_start3A_252[%dma_start3A_253] : memref<1000000xf32, #tpu.memory_space<hbm>> -> memref<124928xf32, #tpu.memory_space<hbm>>
          tpu.enqueue_dma source(%dma_start3A_254 : memref<124928xf32, #tpu.memory_space<hbm>>) target(%dma_start3A_249 : memref<124928xf32, #tpu.memory_space<vmem_shared>>) target_semaphore(%arg12 : memref<!tpu.dma_semaphore, #tpu.memory_space<semaphore_mem>>)
        } else {
        }
        %eq3A_232 = arith.constant 6 : i32
        %eq3A_233 = arith.cmpi eq, %arg1, %eq3A_232 : i32
        %convert_element_type3A_234 = arith.extui %eq3A_233 : i1 to i32
        %cond3A_235 = arith.constant 0 : i32
        %cond3A_236 = arith.cmpi ne, %convert_element_type3A_234, %cond3A_235 : i32
        scf.if %cond3A_236 {
          %add3A_247 = arith.addi %mul3A_0, %add3A_201 : i32
          %dma_start3A_248 = arith.constant 750080 : i32
          %dma_start3A_249 = tpu.memref_slice %arg10[%dma_start3A_248] : memref<1000000xf32, #tpu.memory_space<vmem_shared>> -> memref<124928xf32, #tpu.memory_space<vmem_shared>>
          %dma_start3A_250 = arith.constant 0 : i32
          %dma_start3A_251 = tpu.memref_slice %arg3[%add3A_247, %dma_start3A_250] : memref<64x1000000xf32, #tpu.memory_space<hbm>> -> memref<1x1000000xf32, #tpu.memory_space<hbm>>
          %dma_start3A_252 = tpu.memref_squeeze %dma_start3A_251 : memref<1x1000000xf32, #tpu.memory_space<hbm>> -> memref<1000000xf32, #tpu.memory_space<hbm>>
          %dma_start3A_253 = arith.constant 750080 : i32
          %dma_start3A_254 = tpu.memref_slice %dma_start3A_252[%dma_start3A_253] : memref<1000000xf32, #tpu.memory_space<hbm>> -> memref<124928xf32, #tpu.memory_space<hbm>>
          tpu.enqueue_dma source(%dma_start3A_254 : memref<124928xf32, #tpu.memory_space<hbm>>) target(%dma_start3A_249 : memref<124928xf32, #tpu.memory_space<vmem_shared>>) target_semaphore(%arg12 : memref<!tpu.dma_semaphore, #tpu.memory_space<semaphore_mem>>)
        } else {
        }
        %eq3A_237 = arith.constant 7 : i32
        %eq3A_238 = arith.cmpi eq, %arg1, %eq3A_237 : i32
        %convert_element_type3A_239 = arith.extui %eq3A_238 : i1 to i32
        %cond3A_240 = arith.constant 0 : i32
        %cond3A_241 = arith.cmpi ne, %convert_element_type3A_239, %cond3A_240 : i32
        scf.if %cond3A_241 {
          %add3A_247 = arith.addi %mul3A_0, %add3A_201 : i32
          %dma_start3A_248 = arith.constant 875008 : i32
          %dma_start3A_249 = tpu.memref_slice %arg10[%dma_start3A_248] : memref<1000000xf32, #tpu.memory_space<vmem_shared>> -> memref<124928xf32, #tpu.memory_space<vmem_shared>>
          %dma_start3A_250 = arith.constant 0 : i32
          %dma_start3A_251 = tpu.memref_slice %arg3[%add3A_247, %dma_start3A_250] : memref<64x1000000xf32, #tpu.memory_space<hbm>> -> memref<1x1000000xf32, #tpu.memory_space<hbm>>
          %dma_start3A_252 = tpu.memref_squeeze %dma_start3A_251 : memref<1x1000000xf32, #tpu.memory_space<hbm>> -> memref<1000000xf32, #tpu.memory_space<hbm>>
          %dma_start3A_253 = arith.constant 875008 : i32
          %dma_start3A_254 = tpu.memref_slice %dma_start3A_252[%dma_start3A_253] : memref<1000000xf32, #tpu.memory_space<hbm>> -> memref<124928xf32, #tpu.memory_space<hbm>>
          tpu.enqueue_dma source(%dma_start3A_254 : memref<124928xf32, #tpu.memory_space<hbm>>) target(%dma_start3A_249 : memref<124928xf32, #tpu.memory_space<vmem_shared>>) target_semaphore(%arg12 : memref<!tpu.dma_semaphore, #tpu.memory_space<semaphore_mem>>)
        } else {
        }
        %eq3A_242 = arith.constant 8 : i32
        %eq3A_243 = arith.cmpi eq, %arg1, %eq3A_242 : i32
        %convert_element_type3A_244 = arith.extui %eq3A_243 : i1 to i32
        %cond3A_245 = arith.constant 0 : i32
        %cond3A_246 = arith.cmpi ne, %convert_element_type3A_244, %cond3A_245 : i32
        scf.if %cond3A_246 {
          %add3A_247 = arith.addi %mul3A_0, %add3A_201 : i32
          %mul3A_248 = arith.constant 128 : i32
          %mul3A_249 = arith.muli %add3A_247, %mul3A_248 : i32
          %dma_start3A_250 = tpu.memref_slice %arg4[%mul3A_249] : memref<8192xf32, #tpu.memory_space<hbm>> -> memref<128xf32, #tpu.memory_space<hbm>>
          %dma_start3A_251 = tpu.memref_slice %arg4[%mul3A_249] : memref<8192xf32, #tpu.memory_space<hbm>> -> memref<128xf32, #tpu.memory_space<hbm>>
          tpu.enqueue_dma source(%dma_start3A_251 : memref<128xf32, #tpu.memory_space<hbm>>) target(%arg9 : memref<128xf32, #tpu.memory_space<vmem>>) target_semaphore(%arg12 : memref<!tpu.dma_semaphore, #tpu.memory_space<semaphore_mem>>)
        } else {
        }
      } else {
      }
    }
    %scan3A_62 = arith.constant 32 : i32
    return
  }
}

</mosaic_0001>

<sc_bundles>
// kernel: kernel.3.cloned.1.call-start
scs
__scs_entry_jumppad:
0x0: {  	(pc) =	sbr.rel $0x88, $3  }
0x1: {  	(tag) =	ssettag $0x0;
	lr =	simm.s32 $0x1  }
0x2: {  	[smem:$0x3F9F] =	sst lr;
	_ =	strace $0xD0000000  }
0x3: {  	_ = 	snop  }
0x4: {  	_ = 	snop  }
0x5: {  	_ = 	snop  }
0x6: {  	_ = 	snop  }
0x7: {  	_ = 	snop  }
__scs_overlays_trampoline_lowered:
0x8: {  	[smem:$0x3FAE] =	sst s0  }
0x9: {  	[smem:$0x3FAF] =	sst s1  }
0xa: {  	[smem:$0x3FB0] =	sst s2  }
0xb: {  	[smem:$0x3FB1] =	sst s3  }
0xc: {  	[smem:$0x3FB2] =	sst s4  }
0xd: {  	[smem:$0x3FB3] =	sst s5  }
0xe: {  	[smem:$0x3FB4] =	sst s6  }
0xf: {  	[smem:$0x3FB5] =	sst s7  }
0x10: {  	[smem:$0x3FB6] =	sst s8  }
0x11: {  	[smem:$0x3FB7] =	sst s9;
	s0 =	simm.s32 @!p0 $0x0  }
0x12: {  	s1 =	sld [smem:$0x3F9D];
	s0 =	simm.s32 @p0 $0x1  }
0x13: {  	[smem:$0x3FB8] =	sst s0;
	s0 =	simm.s32 @!p1 $0x0  }
0x14: {  	s2 =	sld [smem:$0x3F9C];
	s0 =	simm.s32 @p1 $0x1  }
0x15: {  	[smem:$0x3FB9] =	sst s0;
	s0 =	simm.s32 @!p2 $0x0  }
0x16: {  	s3 =	sld [smem:$0x3FDB];
	s0 =	simm.s32 @p2 $0x1  }
0x17: {  	s4 =	simm.s32 $0x1BF5;
	[smem:$0x3FBB] =	sst s0  }
0x18: {  	s0 =	sld [smem:$0x3F9E];
	_ =	swait.ge [sflag:s4], $0x0  }
0x19: {  	s7 =	sld [smem:$0x3F9F]  }
0x1a: {  	s8 =	sadd.s32 $0xFFFFE003, lr  }
0x1b: {  	s9 =	sadd.s32 $0xFFFFFEF7, lr;
	s5 =	simm.s32 $0xFFFFFFFF;
	p2 =	slt.u32 s8, $0xFFFFF086  }
0x1c: {  	p1 =	slt.u32 s9, $0xF7A;
	s5 =	simm.s32 @!p2 $0x0  }
0x1d: {  	s5 =	simm.s32 @p1 $0x1;
	p0 =	seq.s32 s7, s2  }
0x1e: {  	s7 =	smul.u32 @!p0 $0xF7A, s2;
	p2 =	seq.s32 @!p0 s5, $0x0  }
0x1f: {  	s9 =	smul.u32 $0xF7A, s1;
	s8 =	simm.s32 @!p0 $0x1BF5;
	p2 =	por !p2, p0  }
0x20: {  	[sflag:s8] =	ssyncset.s32 @!p0 $0xFFFFF086;
	s6 =	sadd.s32 @!p0 s3, s7;
	s7 =	simm.s32 @!p0 $0x108  }
0x21: {  	s3 =	sadd.s32 s3, s9;
	s6 =	sadd.s32 @!p0 $0x88, s6;
	s7 =	simm.s32 @p2 $0x1082  }
0x22: {  	[simem:s7], [sflag:s8] =	dma.local @!p0 [hbm:s6], $0xF7A  }
0x23: {  	s9 =	sor.u32 $0xD0000000, s2;
	s6 =	simm.s32 $0x108;
	_ =	swait.ge @!p0 [sflag:s8], $0x0  }
0x24: {  	s3 =	sadd.s32 $0x88, s3;
	s6 =	simm.s32 @!p1 $0x1082;
	[sflag:s4] =	ssyncset.s32 $0xFFFFF086  }
0x25: {  	[simem:s6], [sflag:s4] =	dma.local [hbm:s3], $0xF7A  }
0x26: {  	[smem:$0x3F9F] =	sst s1;
	(tag) =	ssettag s2;
	_ =	strace s9  }
0x27: {  	s1 =	sld [smem:$0x3FAF]  }
0x28: {  	s2 =	sld [smem:$0x3FB0]  }
0x29: {  	s4 =	sld [smem:$0x3FB2]  }
0x2a: {  	p0 =	seq.s32 s5, $0x0;
	s5 =	sld [smem:$0x3FB3]  }
0x2b: {  	s6 =	sld [smem:$0x3FB4]  }
0x2c: {  	s7 =	sld [smem:$0x3FB5]  }
0x2d: {  	s3 =	simm.s32 $0x108;
	s8 =	sld [smem:$0x3FB6]  }
0x2e: {  	s3 =	simm.s32 @!p0 $0x1082;
	s9 =	sld [smem:$0x3FB7]  }
0x2f: {  	lr =	sadd.s32 s0, s3;
	s0 =	sld [smem:$0x3FAE]  }
0x30: {  	s3 =	sld [smem:$0x3FB1]  }
0x31: {  	[smem:$0x3FBA] =	sst s10  }
0x32: {  	s10 =	sld [smem:$0x3FB8];
	_ =	sdelay $0x3  }
0x33: {  	p0 =	seq.s32 s10, $0x1;
	s10 =	sld [smem:$0x3FBA];
	_ =	sdelay $0x3  }
0x34: {  	[smem:$0x3FBA] =	sst s10  }
0x35: {  	s10 =	sld [smem:$0x3FB9];
	_ =	sdelay $0x3  }
0x36: {  	p1 =	seq.s32 s10, $0x1;
	s10 =	sld [smem:$0x3FBA];
	_ =	sdelay $0x3  }
0x37: {  	[smem:$0x3FBA] =	sst s10  }
0x38: {  	s10 =	sld [smem:$0x3FBB]  }
0x39: {  	_ = 	snop;
	(pc) =	sbr.ind lr, $3  }
0x3a: {  	_ = 	snop  }
0x3b: {  	_ = 	snop  }
0x3c: {  	p2 =	seq.s32 s10, $0x1;
	s10 =	sld [smem:$0x3FBA]  }
0x3d: {  	_ =	shalt  }
0x3e: {  	_ =	shalt  }
0x3f: {  	_ =	shalt  }
0x40: {  	_ =	shalt  }
0x41: {  	_ =	shalt  }
0x42: {  	_ =	shalt  }
0x43: {  	_ =	shalt  }
0x44: {  	_ =	shalt  }
0x45: {  	_ =	shalt  }
0x46: {  	_ =	shalt  }
0x47: {  	_ =	shalt  }
0x48: {  	_ =	shalt  }
0x49: {  	_ =	shalt  }
0x4a: {  	_ =	shalt  }
0x4b: {  	_ =	shalt  }
0x4c: {  	_ =	shalt  }
0x4d: {  	_ =	shalt  }
0x4e: {  	_ =	shalt  }
0x4f: {  	_ =	shalt  }
0x50: {  	_ =	shalt  }
0x51: {  	_ =	shalt  }
0x52: {  	_ =	shalt  }
0x53: {  	_ =	shalt  }
0x54: {  	_ =	shalt  }
0x55: {  	_ =	shalt  }
0x56: {  	_ =	shalt  }
0x57: {  	_ =	shalt  }
0x58: {  	_ =	shalt  }
0x59: {  	_ =	shalt  }
0x5a: {  	_ =	shalt  }
0x5b: {  	_ =	shalt  }
0x5c: {  	_ =	shalt  }
0x5d: {  	_ =	shalt  }
0x5e: {  	_ =	shalt  }
0x5f: {  	_ =	shalt  }
0x60: {  	_ =	shalt  }
0x61: {  	_ =	shalt  }
0x62: {  	_ =	shalt  }
0x63: {  	_ =	shalt  }
0x64: {  	_ =	shalt  }
0x65: {  	_ =	shalt  }
0x66: {  	_ =	shalt  }
0x67: {  	_ =	shalt  }
0x68: {  	_ =	shalt  }
0x69: {  	_ =	shalt  }
0x6a: {  	_ =	shalt  }
0x6b: {  	_ =	shalt  }
0x6c: {  	_ =	shalt  }
0x6d: {  	_ =	shalt  }
0x6e: {  	_ =	shalt  }
0x6f: {  	_ =	shalt  }
0x70: {  	_ =	shalt  }
0x71: {  	_ =	shalt  }
0x72: {  	_ =	shalt  }
0x73: {  	_ =	shalt  }
0x74: {  	_ =	shalt  }
0x75: {  	_ =	shalt  }
0x76: {  	_ =	shalt  }
0x77: {  	_ =	shalt  }
0x78: {  	_ =	shalt  }
0x79: {  	_ =	shalt  }
0x7a: {  	_ =	shalt  }
0x7b: {  	_ =	shalt  }
0x7c: {  	_ =	shalt  }
0x7d: {  	_ =	shalt  }
0x7e: {  	_ =	shalt  }
0x7f: {  	_ =	shalt  }
0x80: {  	_ =	shalt  }
0x81: {  	_ =	shalt  }
0x82: {  	_ =	shalt  }
0x83: {  	_ =	shalt  }
0x84: {  	_ =	shalt  }
0x85: {  	_ =	shalt  }
0x86: {  	_ =	shalt  }
0x87: {  	_ =	shalt  }
.Lfunc_end0:
.L_simem_size_0:
called_computation_lowered:
.L_overlay_start_0:
0x88: {  	s2 =	sld [smem:$0x3FD9]  }
0x89: {  	s3 =	sld [smem:$0x3FFE];
	_ =	sdelay $0x1  }
0x8a: {  	s1 =	srdreg.scid  }
0x8b: {  	s0 =	sand.u32 $0x1, s1  }
0x8c: {  	s17 =	sshll.u32 s0, $0xA;
	s2 =	sadd.s32 s3, s2  }
0x8d: {  	s2 =	sadd.s32 s2, s17  }
0x8e: {  	[smem:$0x3FC6] =	sst s2  }
0x8f: {  	_ = 	snop  }
0x90: {  	s2 =	sld [smem:$0x3FC8]  }
0x91: {  	s18 =	sld [smem:$0x3FD0];
	(tm) =	ssettm $0x1  }
0x92: {  	s4 =	sld [smem:$0x3FFB];
	_ =	sdelay $0x3  }
0x93: {  	_ =	strace s4  }
0x94: {  	s4 =	sld [smem:$0x3FFC];
	_ =	sdelay $0x3  }
0x95: {  	_ =	strace s4  }
0x96: {  	s4 =	sld [smem:$0x3FFD];
	_ =	sdelay $0x3  }
0x97: {  	_ =	strace s4  }
0x98: {  	_ =	strace $0x8FFFFFFF  }
0x99: {  	s19 =	sld [smem:$0x3FDB];
	_ =	sdelay $0x1  }
0x9a: {  	s5 =	simm.s32 $_scs_section_size  }
0x9b: {  	s6 =	simm.s32 $_size__tile_overlayer_lowered;
	s7 =	simm.s32 $_tile_overlayer_lowered  }
0x9c: {  	s22 =	simm.s32 $0x1BFF;
	s21 =	sshll.u32 s7, $0x1;
	s4 =	sadd.s32 s5, s19  }
0x9d: {  	s8 =	simm.s32 $0x0;
	s20 =	sshll.u32 s6, $0x1;
	s6 =	sadd.s32 s21, s4  }
0x9e: {  	[timem:s8], [sflag:s22] =	dma.local [hbm:s6], s20  }
0x9f: {  	_ =	swait.ge [sflag:s22], s20  }
0xa0: {  	s5 =	ssub.s32 $0x0, s20;
	[sflag:s22] =	ssyncset.done $0x0  }
0xa1: {  	[sflag:s22] =	ssyncadd.s32 s5;
	_ =	sdelay $0x1  }
0xa2: {  	s23 =	simm.s32 $0x1B8B  }
0xa3: {  	_ =	swait.ge [sflag:s23], $0x1  }
0xa4: {  	[sflag:s23] =	ssyncset.done $0x0  }
0xa5: {  	s25 =	simm.s32 $0x1B8E;
	s24 =	sld [smem:$0x3FFE];
	[sflag:s23] =	ssyncadd.s32 $0xFFFFFFFF  }
0xa6: {  	s26 =	simm.s32 $execute0_lowered;
	[smem:$0x3FD2] =	sst s25  }
0xa7: {  	s6 =	sshll.u32 s26, $0x1;
	_ =	strace $0x80000046;
	[dreg:$0x1] =	wrdreg $0xFFFFFFFF  }
0xa8: {  	s28 =	simm.s32 $_size_execute0_lowered;
	s4 =	sadd.s32 s4, s6;
	[dreg:$0x0] =	wrdreg $0x0  }
0xa9: {  	s6 =	sshll.u32 s28, $0x1;
	[dreg:$0x2] =	wrdreg s4  }
0xaa: {  	[dreg:$0x3] =	wrdreg s6  }
0xab: {  	[dreg:$0x4] =	wrdreg $0xC0  }
0xac: {  	_ =	task [dreg:s8], $0x5FFFF  }
0xad: {  	[dreg:$0x1] =	wrdreg $0xFFFFFFFF  }
0xae: {  	[dreg:$0x0] =	wrdreg $0x60  }
0xaf: {  	[dreg:$0x2] =	wrdreg s24  }
0xb0: {  	[dreg:$0x3] =	wrdreg s2  }
0xb1: {  	[dreg:$0x4] =	wrdreg s18  }
0xb2: {  	[dreg:$0x5] =	wrdreg $0xE8800  }
0xb3: {  	[dreg:$0x6] =	wrdreg $0x9  }
0xb4: {  	_ =	task.clear_ibuf [dreg:s8], $0x7FFFF;
	_ =	strace $0x90000046  }
0xb5: {  	s29 =	simm.s32 $0x9;
	_ =	strace $0x80000048  }
0xb6: {  	_ =	swait.ge [sflag:s29], $0x1  }
0xb7: {  	[sflag:s29] =	ssyncadd.s32 $0xFFFFFFFF  }
0xb8: {  	_ =	strace $0x90000048  }
0xb9: {  	_ =	sfence  }
0xba: {  	s30 =	sld [smem:$0x0];
	_ =	sdelay $0x2  }
0xbb: {  	s31 =	sshll.u32 s1, $0xD;
	s1 =	sshrl.u32 s1, $0x2  }
0xbc: {  	s3 =	sand.u32 $0x4000, s31;
	s1 =	sadd.s32 s1, s30  }
0xbd: {  	s0 =	sor.u32 s3, s0;
	s1 =	sshll.u32 s1, $0x11  }
0xbe: {  	s0 =	sor.u32 s1, s0  }
0xbf: {  	s0 =	sadd.s32 $0x8F2B, s0  }
0xc0: {  	[sflag:s0] =	ssyncadd.remote.s32 $0x1  }
0xc1: {  	_ =	sfence.sel $0xFFFF  }
0xc2: {  	[dreg:$0x0] =	wrdreg $0xFFFFFFFF;
	(pc) =	sbr.abs _section_cstart, $3  }
0xc3: {  	[dreg:$0x1] =	wrdreg $0xFFFFFFFF  }
0xc4: {  	_ =	task.clear_ibuf [dreg:s8], $0x2FFFF;
	_ =	strace $0x9FFFFFFF  }
0xc5: {  	(tm) =	ssettm $0x7FFFFFFF  }
tec
execute0_lowered:
.L_overlay_start_1:
0x0: {  	(tag) =	ssettag $0x1  }
0x1: {  	s0 =	rddreg [dreg:$0x0]  }
0x2: {  	s1 =	rddreg [dreg:$0x1]  }
0x3: {  	s2 =	rddreg [dreg:$0x2]  }
0x4: {  	s3 =	rddreg [dreg:$0x3]  }
0x5: {  	s4 =	srdreg.scid;
	s6 =	simm.s32 $0x0;
	s5 =	stileid.u32  }
0x6: {  	s30 =	simm.s32 $0x80;
	s31 =	simm.s32 $0xE000;
	s28 =	simm.s32 $0xE780  }
0x7: {  	s29 =	simm.s32 $0x6;
	s11 =	simm.s32 $0x0;
	s4 =	sand.u32 $0x1, s4  }
0x8: {  	[smem:$0x7FF] =	sst s6;
	s18 =	smul.u32 $0x1C00, s5;
	s9 =	sadd.s32 $0x400, s0  }
0x9: {  	s22 =	sadd.s32 $0xD5A00, s3;
	_ =	strace $0x80000047;
	[dreg:$0x5] =	wrdreg s9  }
0xa: {  	s23 =	sadd.s32 $0xB7200, s3;
	s24 =	sadd.s32 $0x98A00, s3;
	[dreg:$0x8] =	wrdreg s22  }
0xb: {  	s25 =	sadd.s32 $0x7A200, s3;
	p3 =	sgt.s32 s5, $0x1;
	[dreg:$0xa] =	wrdreg s23  }
0xc: {  	s10 =	sadd.s32 $0xF41C0, s3;
	s7 =	ssub.s32 $0x2, s4;
	[dreg:$0xb] =	wrdreg s24  }
0xd: {  	s20 =	sshll.u32 s4, $0x9;
	[dreg:$0xc] =	wrdreg s25;
	s8 =	sshrl.u32 s7, $0x1  }
0xe: {  	s19 =	ssub.s32 s7, s8;
	s7 =	sshll.u32 s4, $0x5;
	s4 =	smul.u32 $0x3D0A00, s4  }
0xf: {  	p0 =	seq.s32 @p3 s5, $0x2;
	[dreg:$0xf] =	wrdreg s10;
	s6 =	sadd.s32 s18, s0  }
0x10: {  	p2 =	por !p0, !p3;
	s0 =	smax.u32 s19, $0x1;
	s4 =	sadd.s32 s1, s4  }
0x11: {  	p1 =	por p0, !p3;
	[dreg:$0x11] =	wrdreg s0;
	s0 =	sadd.s32 @!p2 $0x3D100, s4  }
0x12: {  	p1 =	seq.s32 @!p1 s5, $0x3;
	[dreg:$0x12] =	wrdreg s0;
	s0 =	simm.s32 @!p2 $0x0  }
0x13: {  	s8 =	sadd.s32 $0x3D100, s3;
	p0 =	por @p3 !p1, p0;
	s0 =	simm.s32 @p2 $0x1  }
0x14: {  	p4 =	por p0, !p3;
	[smem:$0x7F4] =	sst s0;
	s0 =	sshrl.u32 @!p2 s8, $0x3  }
0x15: {  	s26 =	sshll.u32 s5, $0xD;
	[dreg:$0x13] =	wrdreg s0;
	s0 =	sadd.s32 @!p4 $0x5B980, s4  }
0x16: {  	s6 =	sadd.s32 $0x800, s6;
	[dreg:$0x14] =	wrdreg s0;
	s0 =	simm.s32 @!p4 $0x0  }
0x17: {  	[dreg:$0x6] =	wrdreg s6;
	s6 =	sadd.s32 $0x5B980, s3;
	s0 =	simm.s32 @p4 $0x1  }
0x18: {  	p0 =	por !p0, !p3;
	[smem:$0x7F5] =	sst s0;
	s0 =	sshrl.u32 @!p4 s6, $0x3  }
0x19: {  	p1 =	seq.s32 @!p3 s5, $0x0;
	[dreg:$0x15] =	wrdreg s0;
	s0 =	simm.s32 @!p0 $0x0  }
0x1a: {  	[dreg:$0x10] =	wrdreg s26;
	p4 =	por !p1, p3;
	s0 =	simm.s32 @p0 $0x1  }
0x1b: {  	s22 =	simm.s32 $0xE500;
	[smem:$0x7F6] =	sst s0;
	s0 =	simm.s32 @!p4 $0x0  }
0x1c: {  	s23 =	simm.s32 $0xE580;
	p2 =	por p1, p3;
	s0 =	simm.s32 @p4 $0x1  }
0x1d: {  	p2 =	seq.s32 @!p2 s5, $0x1;
	[smem:$0x7F7] =	sst s0;
	s0 =	sshrl.u32 @!p4 s3, $0x3  }
0x1e: {  	p0 =	por @!p3 !p2, p1;
	[dreg:$0x16] =	wrdreg s0;
	s0 =	simm.s32 @!p3 $0x0  }
0x1f: {  	p1 =	por p0, p3;
	p0 =	por !p0, p3;
	s0 =	simm.s32 @p3 $0x1  }
0x20: {  	s24 =	simm.s32 $0xE600;
	[smem:$0x7F8] =	sst s0;
	s0 =	simm.s32 @!p0 $0x0  }
0x21: {  	s25 =	simm.s32 $0xE680;
	s0 =	simm.s32 @p0 $0x1;
	p0 =	sgt.s32 s5, $0x3  }
0x22: {  	s21 =	sadd.s32 s9, s20;
	[smem:$0x7F9] =	sst s0;
	s0 =	simm.s32 @!p0 $0x0  }
0x23: {  	[dreg:$0x7] =	wrdreg s21;
	s0 =	simm.s32 @p0 $0x1;
	p0 =	sne.s32 s5, $0x0  }
0x24: {  	s26 =	simm.s32 $0xE700;
	[smem:$0x7FA] =	sst s0;
	s0 =	simm.s32 @!p0 $0x0  }
0x25: {  	[dreg:$0xd] =	wrdreg s8;
	s0 =	simm.s32 @p0 $0x1;
	p0 =	sgt.s32 s5, $0x5  }
0x26: {  	s9 =	sadd.s32 $0x1E880, s3;
	[smem:$0x7FB] =	sst s0;
	s0 =	simm.s32 @!p0 $0x0  }
0x27: {  	s20 =	simm.s32 $0x5;
	[dreg:$0xe] =	wrdreg s6;
	s0 =	simm.s32 @p0 $0x1  }
0x28: {  	s21 =	simm.s32 $0xE480;
	[smem:$0x7FC] =	sst s0;
	s0 =	sadd.s32 @!p1 $0x1E880, s4  }
0x29: {  	s19 =	smov.u32 s9;
	[dreg:$0x17] =	wrdreg s0;
	s0 =	simm.s32 @!p1 $0x0  }
0x2a: {  	[dreg:$0x9] =	wrdreg s4;
	s8 =	simm.s32 $0x4;
	s0 =	simm.s32 @p1 $0x1  }
0x2b: {  	s4 =	simm.s32 $0x3;
	[smem:$0x7FD] =	sst s0;
	s0 =	sshrl.u32 @!p1 s9, $0x3  }
0x2c: {  	s9 =	simm.s32 $0xE400;
	[dreg:$0x18] =	wrdreg s0;
	s0 =	simm.s32 $0x400  }
.LBB2_1:
0x2d: {  	s18 =	sld [smem:$0x7FA];
	_ =	sdelay $0x2  }
0x2e: {  	p0 =	seq.s32 s18, $0x1  }
.Ltmp0:
0x2f: {  	_ = 	snop;
	(pc) =	sbr.rel @!p0 .LBB2_2-.Ltmp0, $4  }
0x30: {  	_ = 	snop  }
0x31: {  	s10 =	rddreg [dreg:$0x6]  }
0x32: {  	s6 =	simm.s32 $0x0;
	[dreg:$0x19] =	wrdreg s11  }
0x33: {  	[tilespmem:s6], [sflag:$0x1] =	stream.linear.gather [hbm4b:s10+s6], $0xE000, $0x38;
	[tilespmem:$0x1DCA8] =	vst v63  }
0x34: {  	s6 =	sld [smem:$0x7FC];
	_ =	sdelay $0x2  }
0x35: {  	p0 =	seq.s32 s6, $0x1  }
.Ltmp1:
0x36: {  	_ = 	snop;
	(pc) =	sbr.rel @!p0 .LBB2_4-.Ltmp1, $1  }
0x37: {  	_ =	sdelay $0x3  }
0x38: {  	p2 =	seq.s32 s5, $0x6;
	s12 =	rddreg [dreg:$0x9]  }
0x39: {  	s10 =	rddreg [dreg:$0xa];
	s6 =	sadd.s32 @p2 $0xB7200, s12  }
0x3a: {  	s10 =	sshrl.u32 @p2 s10, $0x3;
	s11 =	simm.s32 @p2 $0x1;
	s13 =	simm.s32 @p2 $0x10  }
0x3b: {  	s14 =	simm.s32 @p2 $0x80;
	s15 =	simm.s32 @p2 $0x1D82;
	p1 =	seq.s32 @!p2 s5, $0x7  }
0x3c: {  	[spmem:s10@s13], [sflag:s15] =	dma.strided @p2 [hbm:s6@s14], $0x3D00, s11, $0x10   }
0x3d: {  	p0 =	por !p1, p2;
	p3 =	por p1, p2  }
0x3e: {  	s6 =	sadd.s32 @!p0 $0xD5A00, s12;
	s10 =	rddreg [dreg:$0x8];
	s11 =	simm.s32 @!p0 $0x1  }
0x3f: {  	s13 =	simm.s32 @!p0 $0x10;
	s14 =	simm.s32 @!p0 $0x80;
	p3 =	seq.s32 @!p3 s5, $0x8  }
0x40: {  	s15 =	simm.s32 @!p0 $0x1DC2;
	s10 =	sshrl.u32 @!p0 s10, $0x3;
	p1 =	por @!p2 !p3, p1  }
0x41: {  	[spmem:s10@s13], [sflag:s15] =	dma.strided @!p0 [hbm:s6@s14], $0x3D00, s11, $0x10   }
0x42: {  	p3 =	por p1, p2  }
0x43: {  	p4 =	por $0x0, $0x0;
	p1 =	por !p1, p2;
	s6 =	simm.s32 @!p3 $0x0  }
0x44: {  	s10 =	simm.s32 @!p3 $0xE800;
	s11 =	rddreg [dreg:$0x7];
	p6 =	por @!p3 $0x0, $0x0  }
0x45: {  	[tilespmem:s10], [sflag:$0x2] =	stream.linear.gather @!p3 [hbm4b:s11+s6], $0x80, $0x38;
	[tilespmem:$0x1DCA8] =	vst v63  }
0x46: {  	p5 =	por @!p3 $0x1, $0x1;
	p6 =	por @!p1 p4, p4  }
0x47: {  	p3 =	por @!p0 $0x0, $0x0;
	p5 =	por @!p1 p4, p4;
	p1 =	por @!p0 $0x1, $0x1  }
0x48: {  	p4 =	por p6, p6;
	p5 =	por @!p0 p3, p3;
	p6 =	por @!p0 p1, p1  }
0x49: {  	p4 =	por @!p0 p3, p3;
	p3 =	por @p2 $0x1, $0x1;
	s6 =	simm.s32 @!p6 $0x0  }
0x4a: {  	p1 =	por @p2 $0x0, $0x0;
	s6 =	simm.s32 @p6 $0x1;
	p3 =	por @!p2 p4, p4  }
0x4b: {  	p0 =	por @p2 $0x0, $0x0;
	[smem:$0x7EE] =	sst s6;
	s6 =	simm.s32 @!p3 $0x0  }
0x4c: {  	p6 =	por @p2 $0x0, $0x0;
	p0 =	por @!p2 p4, p4;
	s6 =	simm.s32 @p3 $0x1  }
0x4d: {  	p1 =	por @!p2 p4, p4;
	[smem:$0x7F0] =	sst s6;
	s6 =	simm.s32 @!p0 $0x0  }
0x4e: {  	p6 =	por @!p2 p5, p5;
	s18 =	sld [smem:$0x7EE];
	s6 =	simm.s32 @p0 $0x1  }
0x4f: {  	p0 =	por @p2 $0x0, $0x0;
	[smem:$0x7F1] =	sst s6;
	s6 =	simm.s32 @!p1 $0x0  }
0x50: {  	p0 =	por @!p2 p4, p4;
	s6 =	simm.s32 @p1 $0x1;
	p1 =	por @p2 $0x0, $0x0  }
.Ltmp2:
0x51: {  	[smem:$0x7F2] =	sst s6;
	s6 =	simm.s32 @!p0 $0x0;
	(pc) =	sbr.rel .LBB2_6-.Ltmp2, $4  }
0x52: {  	p5 =	por @p2 $0x0, $0x0;
	p1 =	por @!p2 p4, p4;
	s6 =	simm.s32 @p0 $0x1  }
0x53: {  	p5 =	por @!p2 p4, p4;
	[smem:$0x7EF] =	sst s6;
	s6 =	simm.s32 @!p1 $0x0  }
0x54: {  	p4 =	por @p2 $0x0, $0x0;
	p0 =	seq.s32 s18, $0x1;
	s6 =	simm.s32 @p1 $0x1  }
0x55: {  	p4 =	por @!p2 p0, p0;
	[smem:$0x7F3] =	sst s6  }
.LBB2_2:
0x56: {  	s6 =	sld [smem:$0x7F4];
	_ =	sdelay $0x2  }
0x57: {  	s12 =	rddreg [dreg:$0x12];
	p2 =	seq.s32 s6, $0x1  }
0x58: {  	s14 =	rddreg [dreg:$0x13];
	s6 =	simm.s32 @!p2 $0x1  }
0x59: {  	s10 =	simm.s32 @!p2 $0x10;
	s11 =	simm.s32 @!p2 $0x80;
	s13 =	simm.s32 @!p2 $0x1C82  }
0x5a: {  	[spmem:s14@s10], [sflag:s13] =	dma.strided @!p2 [hbm:s12@s11], $0x3D10, s6, $0x10   }
0x5b: {  	s6 =	sld [smem:$0x7F5];
	_ =	sdelay $0x2  }
0x5c: {  	s12 =	rddreg [dreg:$0x14];
	p3 =	seq.s32 s6, $0x1  }
0x5d: {  	s14 =	rddreg [dreg:$0x15];
	s6 =	simm.s32 @!p3 $0x1  }
0x5e: {  	s10 =	simm.s32 @!p3 $0x10;
	s11 =	simm.s32 @!p3 $0x80;
	s13 =	simm.s32 @!p3 $0x1CC2  }
0x5f: {  	[spmem:s14@s10], [sflag:s13] =	dma.strided @!p3 [hbm:s12@s11], $0x3D10, s6, $0x10   }
0x60: {  	s6 =	sld [smem:$0x7F6]  }
0x61: {  	s15 =	sld [smem:$0x7F7]  }
0x62: {  	p6 =	por $0x0, $0x0;
	p4 =	por @!p2 $0x0, $0x0;
	p5 =	por @!p3 $0x1, $0x1  }
0x63: {  	p1 =	por @!p3 $0x0, $0x0;
	s12 =	rddreg [dreg:$0x9];
	p3 =	seq.s32 s6, $0x1  }
0x64: {  	p1 =	por @!p3 p6, p6;
	p5 =	por @!p3 p6, p6;
	p3 =	seq.s32 s15, $0x1  }
0x65: {  	s14 =	rddreg [dreg:$0x16];
	s6 =	simm.s32 @!p3 $0x1;
	s10 =	simm.s32 @!p3 $0x10  }
0x66: {  	s11 =	simm.s32 @!p3 $0x80;
	s13 =	simm.s32 @!p3 $0x1C02;
	p0 =	por p1, p1  }
0x67: {  	[spmem:s14@s10], [sflag:s13] =	dma.strided @!p3 [hbm:s12@s11], $0x3D10, s6, $0x10   }
0x68: {  	p0 =	por @!p2 p4, p4;
	p4 =	por @!p2 $0x1, $0x1;
	s16 =	sld [smem:$0x7FD]  }
0x69: {  	p1 =	por @!p2 p4, p4  }
0x6a: {  	s12 =	rddreg [dreg:$0x17];
	s6 =	simm.s32 @!p1 $0x0  }
0x6b: {  	s14 =	rddreg [dreg:$0x18];
	s6 =	simm.s32 @p1 $0x1;
	p4 =	seq.s32 s16, $0x1  }
0x6c: {  	[smem:$0x7F2] =	sst s6;
	s6 =	simm.s32 @!p4 $0x1  }
0x6d: {  	s10 =	simm.s32 @!p4 $0x10;
	s11 =	simm.s32 @!p4 $0x80;
	s13 =	simm.s32 @!p4 $0x1C42  }
0x6e: {  	[spmem:s14@s10], [sflag:s13] =	dma.strided @!p4 [hbm:s12@s11], $0x3D10, s6, $0x10   }
0x6f: {  	s6 =	sld [smem:$0x7F9]  }
0x70: {  	p1 =	por @!p2 $0x0, $0x0  }
0x71: {  	p5 =	por @!p2 p1, p1;
	p1 =	por @!p4 $0x1, $0x1  }
0x72: {  	p2 =	por @!p4 $0x0, $0x0;
	s17 =	sld [smem:$0x7F8];
	p4 =	seq.s32 s6, $0x1  }
0x73: {  	p2 =	por @!p4 p6, p6;
	p1 =	por @!p4 p6, p6;
	p4 =	por @!p3 $0x0, $0x0  }
0x74: {  	p2 =	por @!p3 p4, p4  }
0x75: {  	p1 =	por @!p3 p4, p4;
	p3 =	por p0, p0;
	p4 =	seq.s32 s17, $0x1  }
0x76: {  	p3 =	por @!p4 p1, p1  }
0x77: {  	p1 =	por p0, p0;
	s6 =	simm.s32 @!p3 $0x0  }
0x78: {  	s18 =	sld [smem:$0x7F2];
	p1 =	por @!p4 p2, p2;
	s6 =	simm.s32 @p3 $0x1  }
0x79: {  	p3 =	por p0, p0;
	[smem:$0x7EF] =	sst s6;
	s6 =	simm.s32 @!p1 $0x0  }
0x7a: {  	p3 =	por @!p4 p2, p2;
	s6 =	simm.s32 @p1 $0x1  }
0x7b: {  	p1 =	seq.s32 s18, $0x1;
	[smem:$0x7F0] =	sst s6;
	s6 =	simm.s32 @!p3 $0x0  }
0x7c: {  	p1 =	por @!p4 p2, p2;
	s6 =	simm.s32 @p3 $0x1  }
.Ltmp3:
0x7d: {  	[smem:$0x7F1] =	sst s6;
	s6 =	simm.s32 @!p1 $0x0;
	(pc) =	sbr.rel .LBB2_6-.Ltmp3, $4  }
0x7e: {  	p6 =	por p0, p0;
	p5 =	por @!p4 p2, p2;
	s6 =	simm.s32 @p1 $0x1  }
0x7f: {  	p6 =	por @!p4 p2, p2;
	[smem:$0x7F2] =	sst s6;
	s6 =	simm.s32 @!p5 $0x0  }
0x80: {  	s6 =	simm.s32 @p5 $0x1;
	p5 =	por p0, p0;
	p0 =	por @!p4 p2, p2  }
0x81: {  	[smem:$0x7F3] =	sst s6;
	p5 =	por @!p4 p2, p2;
	p4 =	por p0, p0  }
.LBB2_4:
0x82: {  	p2 =	seq.s32 s5, $0x4;
	s12 =	rddreg [dreg:$0x9]  }
0x83: {  	s10 =	rddreg [dreg:$0xc];
	s6 =	sadd.s32 @p2 $0x7A200, s12  }
0x84: {  	s10 =	sshrl.u32 @p2 s10, $0x3;
	s11 =	simm.s32 @p2 $0x1;
	s13 =	simm.s32 @p2 $0x10  }
0x85: {  	s14 =	simm.s32 @p2 $0x80;
	s15 =	simm.s32 @p2 $0x1D02;
	p0 =	seq.s32 @!p2 s5, $0x5  }
0x86: {  	[spmem:s10@s13], [sflag:s15] =	dma.strided @p2 [hbm:s6@s14], $0x3D00, s11, $0x10   }
0x87: {  	p4 =	por $0x0, $0x0;
	p5 =	por $0x0, $0x0;
	p0 =	por !p0, p2  }
0x88: {  	s6 =	sadd.s32 @!p0 $0x98A00, s12;
	s10 =	rddreg [dreg:$0xb];
	s11 =	simm.s32 @!p0 $0x1  }
0x89: {  	s13 =	simm.s32 @!p0 $0x10;
	s14 =	simm.s32 @!p0 $0x80;
	s15 =	simm.s32 @!p0 $0x1D42  }
0x8a: {  	p1 =	por @!p0 $0x1, $0x1;
	p6 =	por @!p0 $0x0, $0x0;
	s10 =	sshrl.u32 @!p0 s10, $0x3  }
0x8b: {  	[spmem:s10@s13], [sflag:s15] =	dma.strided @!p0 [hbm:s6@s14], $0x3D00, s11, $0x10   }
0x8c: {  	p4 =	por @!p0 p6, p6;
	p5 =	por @!p0 p1, p1;
	p0 =	por @p2 $0x0, $0x0  }
0x8d: {  	p0 =	por @!p2 p4, p4  }
0x8e: {  	p3 =	por @p2 $0x1, $0x1;
	s6 =	simm.s32 @!p0 $0x0  }
0x8f: {  	p3 =	por @!p2 p4, p4;
	s6 =	simm.s32 @p0 $0x1  }
0x90: {  	p0 =	por @p2 $0x0, $0x0;
	[smem:$0x7F0] =	sst s6;
	s6 =	simm.s32 @!p3 $0x0  }
0x91: {  	p0 =	por @!p2 p4, p4;
	s6 =	simm.s32 @p3 $0x1  }
0x92: {  	[smem:$0x7F1] =	sst s6;
	s6 =	simm.s32 @!p0 $0x0  }
0x93: {  	s6 =	simm.s32 @p0 $0x1;
	p0 =	por @p2 $0x0, $0x0  }
0x94: {  	p6 =	por @p2 $0x0, $0x0;
	p1 =	por @p2 $0x0, $0x0;
	p0 =	por @!p2 p4, p4  }
0x95: {  	p3 =	por @p2 $0x0, $0x0;
	[smem:$0x7F2] =	sst s6;
	s6 =	simm.s32 @!p0 $0x0  }
0x96: {  	p6 =	por @!p2 p4, p4;
	p3 =	por @!p2 p4, p4;
	s6 =	simm.s32 @p0 $0x1  }
0x97: {  	p0 =	por @p2 $0x0, $0x0;
	[smem:$0x7EF] =	sst s6;
	s6 =	simm.s32 @!p3 $0x0  }
0x98: {  	p1 =	por @!p2 p5, p5;
	p0 =	por @!p2 p4, p4;
	s6 =	simm.s32 @p3 $0x1  }
0x99: {  	p5 =	por p1, p1;
	p4 =	por p0, p0;
	[smem:$0x7F3] =	sst s6  }
.LBB2_6:
0x9a: {  	s6 =	simm.s32 $0x1  }
0x9b: {  	_ =	swait.ge [sflag:s6], $0xE000  }
0x9c: {  	s14 =	sld [smem:$0x7F2];
	_ =	sdelay $0x1  }
0x9d: {  	s15 =	sld [smem:$0x7F3]  }
0x9e: {  	[sflag:s6] =	ssyncset.done $0x0;
	p0 =	seq.s32 s14, $0x1  }
0x9f: {  	[sflag:s6] =	ssyncadd.s32 $0xFFFF2000;
	s6 =	simm.s32 @!p0 $0x0  }
0xa0: {  	s6 =	simm.s32 @p0 $0x1;
	p0 =	seq.s32 s15, $0x1  }
0xa1: {  	[smem:$0x7F2] =	sst s6;
	s6 =	simm.s32 @!p0 $0x0  }
0xa2: {  	s16 =	sld [smem:$0x7F1];
	s6 =	simm.s32 @p0 $0x1  }
0xa3: {  	[smem:$0x7F3] =	sst s6;
	s6 =	simm.s32 @!p4 $0x0  }
0xa4: {  	s17 =	sld [smem:$0x7F0];
	s6 =	simm.s32 @p4 $0x1  }
0xa5: {  	[smem:$0x7EB] =	sst s6;
	s6 =	simm.s32 @!p6 $0x0  }
0xa6: {  	s18 =	sld [smem:$0x7EF];
	s6 =	simm.s32 @p6 $0x1  }
0xa7: {  	[smem:$0x7EC] =	sst s6;
	s6 =	simm.s32 @!p5 $0x0  }
0xa8: {  	s11 =	simm.s32 $0x0;
	p1 =	seq.s32 s17, $0x1;
	s6 =	simm.s32 @p5 $0x1  }
0xa9: {  	p3 =	seq.s32 s18, $0x1;
	p0 =	seq.s32 s16, $0x1;
	[smem:$0x7ED] =	sst s6  }
.LBB2_7:
0xaa: {  	s6 =	sld [smem:$0x7FB];
	_ =	sdelay $0x2  }
0xab: {  	p2 =	seq.s32 s6, $0x1  }
0xac: {  	s6 =	simm.s32 @!p2 $0x2  }
0xad: {  	_ =	swait.ge @!p2 [sflag:s6], $0x3D10  }
0xae: {  	[sflag:s6] =	ssyncset.done @!p2 $0x0  }
0xaf: {  	[sflag:s6] =	ssyncadd.s32 @!p2 $0xFFFFC2F0;
	s6 =	simm.s32 @p3 $0x2  }
0xb0: {  	_ =	swait.ge @p3 [sflag:s6], $0x3D10  }
0xb1: {  	s17 =	sld [smem:$0x7F2];
	_ =	sdelay $0x2  }
0xb2: {  	[sflag:s6] =	ssyncset.done @p3 $0x0;
	p2 =	seq.s32 s17, $0x1  }
0xb3: {  	[sflag:s6] =	ssyncadd.s32 @p3 $0xFFFFC2F0;
	s6 =	simm.s32 @p2 $0x2  }
0xb4: {  	_ =	swait.ge @p2 [sflag:s6], $0x3D10  }
0xb5: {  	s18 =	sld [smem:$0x7F3];
	_ =	sdelay $0x1  }
0xb6: {  	[sflag:s6] =	ssyncset.done @p2 $0x0  }
0xb7: {  	[sflag:s6] =	ssyncadd.s32 @p2 $0xFFFFC2F0;
	p2 =	seq.s32 s18, $0x1  }
0xb8: {  	s6 =	simm.s32 @p2 $0x2  }
0xb9: {  	_ =	swait.ge @p2 [sflag:s6], $0x3D10  }
0xba: {  	[sflag:s6] =	ssyncset.done @p2 $0x0  }
0xbb: {  	[sflag:s6] =	ssyncadd.s32 @p2 $0xFFFFC2F0;
	s6 =	simm.s32 @p0 $0x2  }
0xbc: {  	_ =	swait.ge @p0 [sflag:s6], $0x3D00  }
0xbd: {  	[sflag:s6] =	ssyncset.done @p0 $0x0  }
0xbe: {  	[sflag:s6] =	ssyncadd.s32 @p0 $0xFFFFC300;
	s6 =	simm.s32 @p5 $0x2  }
0xbf: {  	_ =	swait.ge @p5 [sflag:s6], $0x3D00  }
0xc0: {  	[sflag:s6] =	ssyncset.done @p5 $0x0  }
0xc1: {  	[sflag:s6] =	ssyncadd.s32 @p5 $0xFFFFC300;
	s6 =	simm.s32 @p1 $0x2  }
0xc2: {  	_ =	swait.ge @p1 [sflag:s6], $0x3D00  }
0xc3: {  	[sflag:s6] =	ssyncset.done @p1 $0x0  }
0xc4: {  	[sflag:s6] =	ssyncadd.s32 @p1 $0xFFFFC300;
	s6 =	simm.s32 @p4 $0x2  }
0xc5: {  	_ =	swait.ge @p4 [sflag:s6], $0x3D00  }
0xc6: {  	[sflag:s6] =	ssyncset.done @p4 $0x0  }
0xc7: {  	[sflag:s6] =	ssyncadd.s32 @p4 $0xFFFFC300;
	s6 =	simm.s32 @p6 $0x2  }
0xc8: {  	_ =	swait.ge @p6 [sflag:s6], $0x80  }
0xc9: {  	[sflag:s6] =	ssyncset.done @p6 $0x0  }
0xca: {  	s10 =	rddreg [dreg:$0xf];
	[sflag:s6] =	ssyncadd.s32 @p6 $0xFFFFFF80;
	s6 =	simm.s32 @p6 $0xE800  }
0xcb: {  	[spmem:s10] =	stream.linear.scatter @p6 [tilespmem:s6], [sflag:$0x7], $0x80, $0x38;
	[tilespmem:$0x1DCA8] =	vst v63  }
0xcc: {  	s6 =	simm.s32 @p6 $0x7  }
0xcd: {  	_ =	swait.ge @p6 [sflag:s6], $0x80  }
0xce: {  	[sflag:s6] =	ssyncset.done @p6 $0x0  }
0xcf: {  	[sflag:s6] =	ssyncadd.s32 @p6 $0xFFFFFF80  }
0xd0: {  	s10 =	simm.s32 $0x0;
	[bflag:$0x0] =	sbarrier.arrive $0xFFFF  }
0xd1: {  	[tilespmem:s31], [sflag:$0x3] =	stream.indirect.gather [spmem:s3], $0x1, s10, s30, $0xb8;
	[tilespmem:$0x1DCA8] =	vst v63  }
0xd2: {  	s12 =	simm.s32 $0xE080  }
0xd3: {  	[tilespmem:s12], [sflag:$0x3] =	stream.indirect.gather [spmem:s3], $0x1, s0, s30, $0xb8;
	[tilespmem:$0x1DCA8] =	vst v63  }
0xd4: {  	s13 =	simm.s32 $0x800;
	s14 =	simm.s32 $0xE100  }
0xd5: {  	[tilespmem:s14], [sflag:$0x3] =	stream.indirect.gather [spmem:s3], $0x1, s13, s30, $0xb8;
	[tilespmem:$0x1DCA8] =	vst v63  }
0xd6: {  	s15 =	simm.s32 $0xC00;
	s16 =	simm.s32 $0xE180  }
0xd7: {  	[tilespmem:s16], [sflag:$0x3] =	stream.indirect.gather [spmem:s3], $0x1, s15, s30, $0xb8;
	[tilespmem:$0x1DCA8] =	vst v63  }
0xd8: {  	s17 =	simm.s32 $0x1000;
	s18 =	simm.s32 $0xE200;
	s10 =	simm.s32 $0x1400  }
0xd9: {  	[tilespmem:s18], [sflag:$0x3] =	stream.indirect.gather [spmem:s3], $0x1, s17, s30, $0xb8;
	[tilespmem:$0x1DCA8] =	vst v63  }
0xda: {  	s12 =	simm.s32 $0xE280;
	s13 =	simm.s32 $0x1800;
	s17 =	sadd.s32 s7, s11  }
0xdb: {  	s14 =	simm.s32 $0xE300;
	s15 =	simm.s32 $0x1C00;
	s6 =	sshll.u32 s17, $0xE  }
0xdc: {  	[tilespmem:s12], [sflag:$0x3] =	stream.indirect.gather [spmem:s3], $0x1, s10, s30, $0xb8;
	[tilespmem:$0x1DCA8] =	vst v63  }
0xdd: {  	s18 =	sshll.u32 s11, $0x7;
	s6 =	sand.u32 $0xE0000, s6;
	s12 =	rddreg [dreg:$0x10]  }
0xde: {  	[tilespmem:s14], [sflag:$0x3] =	stream.indirect.gather [spmem:s3], $0x1, s13, s30, $0xb8;
	[tilespmem:$0x1DCA8] =	vst v63  }
0xdf: {  	s16 =	simm.s32 $0xE380;
	s10 =	sand.u32 $0x380, s18;
	s6 =	sor.u32 s12, s6  }
0xe0: {  	[tilespmem:s16], [sflag:$0x3] =	stream.indirect.gather [spmem:s3], $0x1, s15, s30, $0xb8;
	[tilespmem:$0x1DCA8] =	vst v63  }
0xe1: {  	s6 =	sor.u32 s10, s6;
	s15 =	simm.s32 $0x0  }
.LBB2_8:
0xe2: {  	p2 =	seq.s32 s15, $0x0  }
0xe3: {  	s10 =	sshllo.u32 s15, $0x1;
	s13 =	simm.s32 @!p2 $0x6  }
0xe4: {  	s14 =	sshll.u32 s15, $0xB;
	s16 =	sshll.u32 s10, $0x7;
	_ =	swait.ge @!p2 [sflag:s13], $0x400  }
0xe5: {  	s17 =	sand.u32 $0xE000, s14;
	s16 =	sand.u32 $0x380, s16;
	[sflag:s13] =	ssyncset.done @!p2 $0x0  }
0xe6: {  	[sflag:s13] =	ssyncadd.s32 @!p2 $0xFFFFFC00;
	s13 =	sor.u32 s16, s17  }
0xe7: {  	[tilespmem:s9], [sflag:$0x4] =	stream.indirect.gather [spmem:s3], $0x1, s13, s30, $0xb8;
	[tilespmem:$0x1DCA8] =	vst v63  }
0xe8: {  	s17 =	sor.u32 $0x400, s13  }
0xe9: {  	[tilespmem:s21], [sflag:$0x4] =	stream.indirect.gather [spmem:s3], $0x1, s17, s30, $0xb8;
	[tilespmem:$0x1DCA8] =	vst v63  }
0xea: {  	s12 =	sor.u32 $0x800, s13  }
0xeb: {  	[tilespmem:s22], [sflag:$0x4] =	stream.indirect.gather [spmem:s3], $0x1, s12, s30, $0xb8;
	[tilespmem:$0x1DCA8] =	vst v63  }
0xec: {  	s18 =	sor.u32 $0xC00, s13  }
0xed: {  	[tilespmem:s23], [sflag:$0x4] =	stream.indirect.gather [spmem:s3], $0x1, s18, s30, $0xb8;
	[tilespmem:$0x1DCA8] =	vst v63  }
0xee: {  	s12 =	sor.u32 $0x1000, s13  }
0xef: {  	[tilespmem:s24], [sflag:$0x4] =	stream.indirect.gather [spmem:s3], $0x1, s12, s30, $0xb8;
	[tilespmem:$0x1DCA8] =	vst v63  }
0xf0: {  	s13 =	sor.u32 $0x1400, s13;
	s18 =	sor.u32 s14, s16  }
0xf1: {  	[tilespmem:s25], [sflag:$0x4] =	stream.indirect.gather [spmem:s3], $0x1, s13, s30, $0xb8;
	[tilespmem:$0x1DCA8] =	vst v63  }
0xf2: {  	s14 =	sor.u32 $0x1800, s18  }
0xf3: {  	[tilespmem:s26], [sflag:$0x4] =	stream.indirect.gather [spmem:s3], $0x1, s14, s30, $0xb8;
	[tilespmem:$0x1DCA8] =	vst v63  }
0xf4: {  	s13 =	sor.u32 $0x1C00, s18  }
0xf5: {  	[tilespmem:s28], [sflag:$0x4] =	stream.indirect.gather [spmem:s3], $0x1, s13, s30, $0xb8;
	[tilespmem:$0x1DCA8] =	vst v63  }
0xf6: {  	_ =	swait.ge [sflag:s4], $0x80  }
0xf7: {  	[sflag:s4] =	ssyncset.done $0x0  }
0xf8: {  	[sflag:s4] =	ssyncadd.s32 $0xFFFFFF80  }
0xf9: {  	_ =	swait.ge [sflag:s4], $0x80  }
0xfa: {  	[sflag:s4] =	ssyncset.done $0x0  }
0xfb: {  	[sflag:s4] =	ssyncadd.s32 $0xFFFFFF80  }
0xfc: {  	_ =	swait.ge [sflag:s4], $0x80  }
0xfd: {  	[sflag:s4] =	ssyncset.done $0x0  }
0xfe: {  	[sflag:s4] =	ssyncadd.s32 $0xFFFFFF80  }
0xff: {  	_ =	swait.ge [sflag:s4], $0x80  }
0x100: {  	[sflag:s4] =	ssyncset.done $0x0  }
0x101: {  	[sflag:s4] =	ssyncadd.s32 $0xFFFFFF80  }
0x102: {  	_ =	swait.ge [sflag:s4], $0x80  }
0x103: {  	[sflag:s4] =	ssyncset.done $0x0  }
0x104: {  	[sflag:s4] =	ssyncadd.s32 $0xFFFFFF80  }
0x105: {  	_ =	swait.ge [sflag:s4], $0x80  }
0x106: {  	[sflag:s4] =	ssyncset.done $0x0  }
0x107: {  	[sflag:s4] =	ssyncadd.s32 $0xFFFFFF80  }
0x108: {  	_ =	swait.ge [sflag:s4], $0x80  }
0x109: {  	[sflag:s4] =	ssyncset.done $0x0  }
0x10a: {  	[sflag:s4] =	ssyncadd.s32 $0xFFFFFF80  }
0x10b: {  	_ =	swait.ge [sflag:s4], $0x80  }
0x10c: {  	[sflag:s4] =	ssyncset.done $0x0  }
0x10d: {  	s17 =	simm.s32 $0xE020;
	[sflag:s4] =	ssyncadd.s32 $0xFFFFFF80  }
0x10e: {  	v0 =	vld [tilespmem:s17+$0xFFFFFFE0]  }
0x10f: {  	v2 =	vld [tilespmem:s17+$0x10]  }
0x110: {  	v3 =	vld [tilespmem:s17+$0x0];
	_ =	sdelay $0x1  }
0x111: {  	v4 =	vld [tilespmem:s17+$0xFFFFFFF0]  }
0x112: {  	s16 =	simm.s32 $0xE060;
	v5 =	vmul.f32 $8.000000000e+00, v0  }
0x113: {  	v1 =	vld [tilespmem:s16+$0xFFFFFFE0];
	v6 =	vmul.f32 $8.000000000e+00, v2  }
0x114: {  	v0 =	vld [tilespmem:s16+$0x10];
	[tilespmem:s17+$0xFFFFFFE0] =	vst v5;
	v5 =	vmul.f32 $8.000000000e+00, v3  }
0x115: {  	v2 =	vld [tilespmem:s16+$0x0];
	[tilespmem:s17+$0x10] =	vst v6  }
0x116: {  	s14 =	simm.s32 $0x40;
	s13 =	sshll.u32 s15, $0x1;
	v4 =	vmul.f32 $8.000000000e+00, v4;
	v3 =	vld [tilespmem:s16+$0xFFFFFFF0];
	[tilespmem:s17+$0x0] =	vst v5  }
.LBB2_9:
0x117: {  	s14 =	sadd.s32 $0x40, s14  }
0x118: {  	[tilespmem:s17+$0xFFFFFFF0] =	vst v4;
	s17 =	smov.u32 s16;
	p2 =	slt.u32 s14, $0x3C0  }
.Ltmp4:
0x119: {  	s16 =	sadd.s32 $0x40, s16;
	v4 =	vmul.f32 $8.000000000e+00, v1;
	(pc) =	sbr.rel @p2 .LBB2_9-.Ltmp4, $4  }
0x11a: {  	v1 =	vld [tilespmem:s16+$0xFFFFFFE0];
	v5 =	vmul.f32 $8.000000000e+00, v0  }
0x11b: {  	v0 =	vld [tilespmem:s16+$0x10];
	[tilespmem:s17+$0xFFFFFFE0] =	vst v4;
	v6 =	vmul.f32 $8.000000000e+00, v2  }
0x11c: {  	v2 =	vld [tilespmem:s16+$0x0];
	v4 =	vmul.f32 $8.000000000e+00, v3;
	[tilespmem:s17+$0x10] =	vst v5  }
0x11d: {  	v3 =	vld [tilespmem:s16+$0xFFFFFFF0];
	[tilespmem:s17+$0x0] =	vst v6  }
0x11e: {  	_ = 	snop  }
0x11f: {  	v1 =	vmul.f32 $8.000000000e+00, v1  }
0x120: {  	[tilespmem:s17+$0xFFFFFFF0] =	vst v4;
	v0 =	vmul.f32 $8.000000000e+00, v0  }
0x121: {  	s14 =	sshll.u32 s15, $0x15;
	[tilespmem:s16+$0xFFFFFFE0] =	vst v1;
	v1 =	vmul.f32 $8.000000000e+00, v2  }
0x122: {  	s14 =	sor.u32 s6, s14;
	v2 =	vmul.f32 $8.000000000e+00, v3;
	[tilespmem:s16+$0x10] =	vst v0  }
0x123: {  	s14 =	sshrl.u32 s14, $0x3;
	[tilespmem:s16+$0x0] =	vst v1  }
0x124: {  	p2 =	seq.s32 s15, $0x18;
	s14 =	sadd.s32 s2, s14;
	[tilespmem:s16+$0xFFFFFFF0] =	vst v2  }
0x125: {  	[hbm4b:s14+s30] =	stream.strided.scatter [tilespmem:s31], [sflag:$0x5], $0x400, s0, s30, $0x38;
	[tilespmem:$0x1DCA8] =	vst v63  }
0x126: {  	s14 =	simm.s32 @!p2 $0x5  }
0x127: {  	s13 =	sadd.s32 @!p2 $0x2, s13;
	_ =	swait.ge @!p2 [sflag:s14], $0x400  }
0x128: {  	s16 =	sshll.u32 @!p2 s13, $0xA;
	s13 =	sshll.u32 @!p2 s13, $0x7;
	[sflag:s14] =	ssyncset.done @!p2 $0x0  }
0x129: {  	s13 =	sand.u32 @!p2 $0x300, s13;
	[sflag:s14] =	ssyncadd.s32 @!p2 $0xFFFFFC00;
	s14 =	sand.u32 @!p2 $0x1E000, s16  }
0x12a: {  	s17 =	simm.s32 @!p2 $0x80;
	s12 =	simm.s32 @!p2 $0xE000;
	s14 =	sor.u32 @!p2 s13, s14  }
0x12b: {  	[tilespmem:s12], [sflag:$0x3] =	stream.indirect.gather @!p2 [spmem:s3], $0x1, s14, s17, $0xb8;
	[tilespmem:$0x1DCA8] =	vst v63  }
0x12c: {  	s18 =	simm.s32 @!p2 $0xE080;
	s12 =	sor.u32 @!p2 $0x400, s14  }
0x12d: {  	[tilespmem:s18], [sflag:$0x3] =	stream.indirect.gather @!p2 [spmem:s3], $0x1, s12, s17, $0xb8;
	[tilespmem:$0x1DCA8] =	vst v63  }
0x12e: {  	s12 =	sor.u32 @!p2 $0x800, s14;
	s18 =	simm.s32 @!p2 $0xE100  }
0x12f: {  	[tilespmem:s18], [sflag:$0x3] =	stream.indirect.gather @!p2 [spmem:s3], $0x1, s12, s17, $0xb8;
	[tilespmem:$0x1DCA8] =	vst v63  }
0x130: {  	s12 =	sor.u32 @!p2 $0xC00, s14;
	s18 =	simm.s32 @!p2 $0xE180  }
0x131: {  	[tilespmem:s18], [sflag:$0x3] =	stream.indirect.gather @!p2 [spmem:s3], $0x1, s12, s17, $0xb8;
	[tilespmem:$0x1DCA8] =	vst v63  }
0x132: {  	s12 =	sor.u32 @!p2 $0x1000, s14;
	s18 =	simm.s32 @!p2 $0xE200  }
0x133: {  	[tilespmem:s18], [sflag:$0x3] =	stream.indirect.gather @!p2 [spmem:s3], $0x1, s12, s17, $0xb8;
	[tilespmem:$0x1DCA8] =	vst v63  }
0x134: {  	s12 =	sor.u32 @!p2 $0x1400, s14;
	s14 =	simm.s32 @!p2 $0xE280  }
0x135: {  	[tilespmem:s14], [sflag:$0x3] =	stream.indirect.gather @!p2 [spmem:s3], $0x1, s12, s17, $0xb8;
	[tilespmem:$0x1DCA8] =	vst v63  }
0x136: {  	s12 =	sor.u32 @!p2 s16, s13  }
0x137: {  	s14 =	simm.s32 @!p2 $0xE300;
	s13 =	sor.u32 @!p2 $0x1800, s12  }
0x138: {  	[tilespmem:s14], [sflag:$0x3] =	stream.indirect.gather @!p2 [spmem:s3], $0x1, s13, s17, $0xb8;
	[tilespmem:$0x1DCA8] =	vst v63  }
0x139: {  	s12 =	sor.u32 @!p2 $0x1C00, s12;
	s13 =	simm.s32 @!p2 $0xE380  }
0x13a: {  	[tilespmem:s13], [sflag:$0x3] =	stream.indirect.gather @!p2 [spmem:s3], $0x1, s12, s17, $0xb8;
	[tilespmem:$0x1DCA8] =	vst v63  }
0x13b: {  	_ =	swait.ge [sflag:s8], $0x80  }
0x13c: {  	[sflag:s8] =	ssyncset.done $0x0  }
0x13d: {  	[sflag:s8] =	ssyncadd.s32 $0xFFFFFF80  }
0x13e: {  	_ =	swait.ge [sflag:s8], $0x80  }
0x13f: {  	[sflag:s8] =	ssyncset.done $0x0  }
0x140: {  	[sflag:s8] =	ssyncadd.s32 $0xFFFFFF80  }
0x141: {  	_ =	swait.ge [sflag:s8], $0x80  }
0x142: {  	[sflag:s8] =	ssyncset.done $0x0  }
0x143: {  	[sflag:s8] =	ssyncadd.s32 $0xFFFFFF80  }
0x144: {  	_ =	swait.ge [sflag:s8], $0x80  }
0x145: {  	[sflag:s8] =	ssyncset.done $0x0  }
0x146: {  	[sflag:s8] =	ssyncadd.s32 $0xFFFFFF80  }
0x147: {  	_ =	swait.ge [sflag:s8], $0x80  }
0x148: {  	[sflag:s8] =	ssyncset.done $0x0  }
0x149: {  	[sflag:s8] =	ssyncadd.s32 $0xFFFFFF80  }
0x14a: {  	_ =	swait.ge [sflag:s8], $0x80  }
0x14b: {  	[sflag:s8] =	ssyncset.done $0x0  }
0x14c: {  	[sflag:s8] =	ssyncadd.s32 $0xFFFFFF80  }
0x14d: {  	_ =	swait.ge [sflag:s8], $0x80  }
0x14e: {  	[sflag:s8] =	ssyncset.done $0x0  }
0x14f: {  	[sflag:s8] =	ssyncadd.s32 $0xFFFFFF80  }
0x150: {  	_ =	swait.ge [sflag:s8], $0x80  }
0x151: {  	[sflag:s8] =	ssyncset.done $0x0  }
0x152: {  	s13 =	simm.s32 $0xE420;
	[sflag:s8] =	ssyncadd.s32 $0xFFFFFF80  }
0x153: {  	v0 =	vld [tilespmem:s13+$0xFFFFFFE0]  }
0x154: {  	v2 =	vld [tilespmem:s13+$0x10]  }
0x155: {  	v3 =	vld [tilespmem:s13+$0x0];
	_ =	sdelay $0x1  }
0x156: {  	v4 =	vld [tilespmem:s13+$0xFFFFFFF0]  }
0x157: {  	s16 =	simm.s32 $0xE460;
	v5 =	vmul.f32 $8.000000000e+00, v0  }
0x158: {  	v1 =	vld [tilespmem:s16+$0xFFFFFFE0];
	v6 =	vmul.f32 $8.000000000e+00, v2  }
0x159: {  	v0 =	vld [tilespmem:s16+$0x10];
	[tilespmem:s13+$0xFFFFFFE0] =	vst v5;
	v5 =	vmul.f32 $8.000000000e+00, v3  }
0x15a: {  	v2 =	vld [tilespmem:s16+$0x0];
	[tilespmem:s13+$0x10] =	vst v6  }
0x15b: {  	s14 =	simm.s32 $0x40;
	v4 =	vmul.f32 $8.000000000e+00, v4;
	v3 =	vld [tilespmem:s16+$0xFFFFFFF0];
	[tilespmem:s13+$0x0] =	vst v5  }
.LBB2_11:
0x15c: {  	s14 =	sadd.s32 $0x40, s14  }
0x15d: {  	[tilespmem:s13+$0xFFFFFFF0] =	vst v4;
	s13 =	smov.u32 s16;
	p2 =	slt.u32 s14, $0x3C0  }
.Ltmp5:
0x15e: {  	s16 =	sadd.s32 $0x40, s16;
	v4 =	vmul.f32 $8.000000000e+00, v1;
	(pc) =	sbr.rel @p2 .LBB2_11-.Ltmp5, $4  }
0x15f: {  	v1 =	vld [tilespmem:s16+$0xFFFFFFE0];
	v5 =	vmul.f32 $8.000000000e+00, v0  }
0x160: {  	v0 =	vld [tilespmem:s16+$0x10];
	[tilespmem:s13+$0xFFFFFFE0] =	vst v4;
	v6 =	vmul.f32 $8.000000000e+00, v2  }
0x161: {  	v2 =	vld [tilespmem:s16+$0x0];
	v4 =	vmul.f32 $8.000000000e+00, v3;
	[tilespmem:s13+$0x10] =	vst v5  }
0x162: {  	v3 =	vld [tilespmem:s16+$0xFFFFFFF0];
	[tilespmem:s13+$0x0] =	vst v6  }
0x163: {  	_ = 	snop  }
0x164: {  	s15 =	sadd.s32 $0x1, s15;
	v1 =	vmul.f32 $8.000000000e+00, v1  }
0x165: {  	[tilespmem:s13+$0xFFFFFFF0] =	vst v4;
	p2 =	sne.s32 s15, $0x19;
	v0 =	vmul.f32 $8.000000000e+00, v0  }
.Ltmp6:
0x166: {  	s10 =	sshll.u32 s10, $0x14;
	[tilespmem:s16+$0xFFFFFFE0] =	vst v1;
	v62 =	vmul.f32 $8.000000000e+00, v2;
	(pc) =	sbr.rel @p2 .LBB2_8-.Ltmp6, $4  }
0x167: {  	s10 =	sor.u32 s6, s10;
	v63 =	vmul.f32 $8.000000000e+00, v3;
	[tilespmem:s16+$0x10] =	vst v0  }
0x168: {  	s10 =	sshrl.u32 s10, $0x3;
	[tilespmem:s16+$0x0] =	vst v62  }
0x169: {  	s10 =	sadd.s32 s2, s10;
	[tilespmem:s16+$0xFFFFFFF0] =	vst v63  }
0x16a: {  	[hbm4b:s10+s30] =	stream.strided.scatter [tilespmem:s9], [sflag:$0x6], $0x400, s0, s30, $0x38;
	[tilespmem:$0x1DCA8] =	vst v63  }
0x16b: {  	p2 =	seq.s32 s11, $0x1F  }
0x16c: {  	p4 =	sne.s32 @!p2 s5, $0x0  }
0x16d: {  	_ =	swait.ge [sflag:s20], $0x400;
	s11 =	sadd.s32 $0x1, s11;
	p4 =	por p4, p2  }
0x16e: {  	[sflag:s20] =	ssyncset.done $0x0;
	s6 =	sadd.s32 @!p4 s7, s11  }
0x16f: {  	[sflag:s20] =	ssyncadd.s32 $0xFFFFFC00;
	s6 =	sshrl.u32 @!p4 s6, $0x3  }
0x170: {  	_ =	swait.ge [sflag:s29], $0x400;
	s10 =	sshll.u32 @!p4 s11, $0x7;
	s6 =	smul.u32 @!p4 $0x7A1400, s6  }
0x171: {  	s12 =	simm.s32 @!p4 $0x1;
	s13 =	simm.s32 @!p4 $0x10;
	s10 =	sand.u32 @!p4 $0x380, s10  }
0x172: {  	s14 =	simm.s32 @!p4 $0x80;
	[sflag:s29] =	ssyncset.done $0x0;
	s6 =	sor.u32 @!p4 s10, s6  }
0x173: {  	s15 =	simm.s32 @!p4 $0x1C02;
	[sflag:s29] =	ssyncadd.s32 $0xFFFFFC00;
	s6 =	sshrl.u32 @!p4 s6, $0x3  }
0x174: {  	[bflag:$0x0] =	sbarrier.arrive $0xFFFF;
	s10 =	sshrl.u32 @!p4 s3, $0x3;
	s6 =	sadd.s32 @!p4 s1, s6  }
0x175: {  	[spmem:s10@s13], [sflag:s15] =	dma.strided @!p4 [hbm:s6@s14], $0x3D10, s12, $0x10   }
0x176: {  	p4 =	por !p3, p2  }
0x177: {  	s6 =	sadd.s32 @!p4 s7, s11  }
0x178: {  	s6 =	sshrl.u32 @!p4 s6, $0x3  }
0x179: {  	s10 =	sshll.u32 @!p4 s11, $0x7;
	s6 =	smul.u32 @!p4 $0x7A1400, s6  }
0x17a: {  	s10 =	sand.u32 @!p4 $0x380, s10  }
0x17b: {  	s6 =	sor.u32 @!p4 s10, s6  }
0x17c: {  	s12 =	sshrl.u32 @!p4 s19, $0x3;
	s13 =	simm.s32 @!p4 $0x1;
	s6 =	sshrl.u32 @!p4 s6, $0x3  }
0x17d: {  	s14 =	simm.s32 @!p4 $0x10;
	s10 =	sshll.u32 @!p4 s5, $0x6;
	s6 =	sadd.s32 @!p4 s1, s6  }
0x17e: {  	s15 =	simm.s32 @!p4 $0x80;
	s10 =	sor.u32 @!p4 $0x1C02, s10;
	s6 =	sadd.s32 @!p4 $0x1E880, s6  }
0x17f: {  	[spmem:s12@s14], [sflag:s10] =	dma.strided @!p4 [hbm:s6@s15], $0x3D10, s13, $0x10   }
0x180: {  	s6 =	sld [smem:$0x7F2];
	_ =	sdelay $0x2  }
0x181: {  	p0 =	seq.s32 s6, $0x1  }
0x182: {  	p4 =	por !p0, p2  }
0x183: {  	s6 =	sadd.s32 @!p4 s7, s11  }
0x184: {  	s6 =	sshrl.u32 @!p4 s6, $0x3  }
0x185: {  	s10 =	sshll.u32 @!p4 s11, $0x7;
	s6 =	smul.u32 @!p4 $0x7A1400, s6  }
0x186: {  	s10 =	sand.u32 @!p4 $0x380, s10  }
0x187: {  	s12 =	rddreg [dreg:$0xd];
	s6 =	sor.u32 @!p4 s10, s6  }
0x188: {  	s12 =	sshrl.u32 @!p4 s12, $0x3;
	s13 =	simm.s32 @!p4 $0x1;
	s6 =	sshrl.u32 @!p4 s6, $0x3  }
0x189: {  	s14 =	simm.s32 @!p4 $0x10;
	s10 =	sshll.u32 @!p4 s5, $0x6;
	s6 =	sadd.s32 @!p4 s1, s6  }
0x18a: {  	s15 =	simm.s32 @!p4 $0x80;
	s10 =	sor.u32 @!p4 $0x1C02, s10;
	s6 =	sadd.s32 @!p4 $0x3D100, s6  }
0x18b: {  	[spmem:s12@s14], [sflag:s10] =	dma.strided @!p4 [hbm:s6@s15], $0x3D10, s13, $0x10   }
0x18c: {  	s6 =	sld [smem:$0x7F3];
	_ =	sdelay $0x2  }
0x18d: {  	p6 =	seq.s32 s6, $0x1  }
0x18e: {  	p4 =	por !p6, p2  }
0x18f: {  	s6 =	sadd.s32 @!p4 s7, s11  }
0x190: {  	s6 =	sshrl.u32 @!p4 s6, $0x3  }
0x191: {  	s10 =	sshll.u32 @!p4 s11, $0x7;
	s6 =	smul.u32 @!p4 $0x7A1400, s6  }
0x192: {  	s10 =	sand.u32 @!p4 $0x380, s10  }
0x193: {  	s12 =	rddreg [dreg:$0xe];
	s6 =	sor.u32 @!p4 s10, s6  }
0x194: {  	s12 =	sshrl.u32 @!p4 s12, $0x3;
	s13 =	simm.s32 @!p4 $0x1;
	s6 =	sshrl.u32 @!p4 s6, $0x3  }
0x195: {  	s14 =	simm.s32 @!p4 $0x10;
	s10 =	sshll.u32 @!p4 s5, $0x6;
	s6 =	sadd.s32 @!p4 s1, s6  }
0x196: {  	s15 =	simm.s32 @!p4 $0x80;
	s10 =	sor.u32 @!p4 $0x1C02, s10;
	s6 =	sadd.s32 @!p4 $0x5B980, s6  }
0x197: {  	[spmem:s12@s14], [sflag:s10] =	dma.strided @!p4 [hbm:s6@s15], $0x3D10, s13, $0x10   }
0x198: {  	s6 =	sld [smem:$0x7F1];
	_ =	sdelay $0x2  }
0x199: {  	p0 =	seq.s32 s6, $0x1  }
0x19a: {  	p4 =	por !p0, p2  }
0x19b: {  	s6 =	sadd.s32 @!p4 s7, s11  }
0x19c: {  	s6 =	sshrl.u32 @!p4 s6, $0x3  }
0x19d: {  	s10 =	sshll.u32 @!p4 s11, $0x7;
	s6 =	smul.u32 @!p4 $0x7A1400, s6  }
0x19e: {  	s10 =	sand.u32 @!p4 $0x380, s10  }
0x19f: {  	s12 =	rddreg [dreg:$0xc];
	s6 =	sor.u32 @!p4 s10, s6  }
0x1a0: {  	s12 =	sshrl.u32 @!p4 s12, $0x3;
	s13 =	simm.s32 @!p4 $0x1;
	s6 =	sshrl.u32 @!p4 s6, $0x3  }
0x1a1: {  	s14 =	simm.s32 @!p4 $0x10;
	s10 =	sshll.u32 @!p4 s5, $0x6;
	s6 =	sadd.s32 @!p4 s1, s6  }
0x1a2: {  	s15 =	simm.s32 @!p4 $0x80;
	s10 =	sor.u32 @!p4 $0x1C02, s10;
	s6 =	sadd.s32 @!p4 $0x7A200, s6  }
0x1a3: {  	[spmem:s12@s14], [sflag:s10] =	dma.strided @!p4 [hbm:s6@s15], $0x3D00, s13, $0x10   }
0x1a4: {  	p4 =	por !p5, p2  }
0x1a5: {  	s6 =	sadd.s32 @!p4 s7, s11  }
0x1a6: {  	s6 =	sshrl.u32 @!p4 s6, $0x3  }
0x1a7: {  	s10 =	sshll.u32 @!p4 s11, $0x7;
	s6 =	smul.u32 @!p4 $0x7A1400, s6  }
0x1a8: {  	s10 =	sand.u32 @!p4 $0x380, s10  }
0x1a9: {  	s12 =	rddreg [dreg:$0xb];
	s6 =	sor.u32 @!p4 s10, s6  }
0x1aa: {  	s13 =	simm.s32 @!p4 $0x1;
	s14 =	simm.s32 @!p4 $0x10;
	s6 =	sshrl.u32 @!p4 s6, $0x3  }
0x1ab: {  	s15 =	simm.s32 @!p4 $0x80;
	s10 =	sshll.u32 @!p4 s5, $0x6;
	s6 =	sadd.s32 @!p4 s1, s6  }
0x1ac: {  	s12 =	sshrl.u32 @!p4 s12, $0x3;
	s10 =	sor.u32 @!p4 $0x1C02, s10;
	s6 =	sadd.s32 @!p4 $0x98A00, s6  }
0x1ad: {  	[spmem:s12@s14], [sflag:s10] =	dma.strided @!p4 [hbm:s6@s15], $0x3D00, s13, $0x10   }
0x1ae: {  	s6 =	sld [smem:$0x7F0];
	_ =	sdelay $0x2  }
0x1af: {  	p1 =	seq.s32 s6, $0x1  }
0x1b0: {  	p4 =	por !p1, p2  }
0x1b1: {  	s6 =	sadd.s32 @!p4 s7, s11  }
0x1b2: {  	s6 =	sshrl.u32 @!p4 s6, $0x3  }
0x1b3: {  	s10 =	sshll.u32 @!p4 s11, $0x7;
	s6 =	smul.u32 @!p4 $0x7A1400, s6  }
0x1b4: {  	s10 =	sand.u32 @!p4 $0x380, s10  }
0x1b5: {  	s12 =	rddreg [dreg:$0xa];
	s6 =	sor.u32 @!p4 s10, s6  }
0x1b6: {  	s12 =	sshrl.u32 @!p4 s12, $0x3;
	s13 =	simm.s32 @!p4 $0x1;
	s6 =	sshrl.u32 @!p4 s6, $0x3  }
0x1b7: {  	s14 =	simm.s32 @!p4 $0x10;
	s10 =	sshll.u32 @!p4 s5, $0x6;
	s6 =	sadd.s32 @!p4 s1, s6  }
0x1b8: {  	s15 =	simm.s32 @!p4 $0x80;
	s10 =	sor.u32 @!p4 $0x1C02, s10;
	s6 =	sadd.s32 @!p4 $0xB7200, s6  }
0x1b9: {  	[spmem:s12@s14], [sflag:s10] =	dma.strided @!p4 [hbm:s6@s15], $0x3D00, s13, $0x10   }
0x1ba: {  	s6 =	sld [smem:$0x7EB];
	_ =	sdelay $0x2  }
0x1bb: {  	p5 =	seq.s32 s6, $0x1  }
0x1bc: {  	p4 =	por !p5, p2  }
0x1bd: {  	s6 =	sadd.s32 @!p4 s7, s11  }
0x1be: {  	s6 =	sshrl.u32 @!p4 s6, $0x3  }
0x1bf: {  	s10 =	sshll.u32 @!p4 s11, $0x7;
	s6 =	smul.u32 @!p4 $0x7A1400, s6  }
0x1c0: {  	s10 =	sand.u32 @!p4 $0x380, s10  }
0x1c1: {  	s12 =	rddreg [dreg:$0x8];
	s6 =	sor.u32 @!p4 s10, s6  }
0x1c2: {  	s12 =	sshrl.u32 @!p4 s12, $0x3;
	s13 =	simm.s32 @!p4 $0x1;
	s6 =	sshrl.u32 @!p4 s6, $0x3  }
0x1c3: {  	s14 =	simm.s32 @!p4 $0x10;
	s10 =	sshll.u32 @!p4 s5, $0x6;
	s6 =	sadd.s32 @!p4 s1, s6  }
0x1c4: {  	s15 =	simm.s32 @!p4 $0x80;
	s10 =	sor.u32 @!p4 $0x1C02, s10;
	s6 =	sadd.s32 @!p4 $0xD5A00, s6  }
0x1c5: {  	[spmem:s12@s14], [sflag:s10] =	dma.strided @!p4 [hbm:s6@s15], $0x3D00, s13, $0x10   }
0x1c6: {  	s6 =	sld [smem:$0x7EC];
	_ =	sdelay $0x2  }
0x1c7: {  	p6 =	seq.s32 s6, $0x1  }
0x1c8: {  	p4 =	por !p6, p2  }
0x1c9: {  	s6 =	sadd.s32 @!p4 s7, s11  }
0x1ca: {  	s10 =	rddreg [dreg:$0x5];
	s6 =	sshll.u32 @!p4 s6, $0x4  }
0x1cb: {  	s12 =	simm.s32 @!p4 $0xE800;
	s6 =	sadd.s32 @!p4 s10, s6;
	s10 =	simm.s32 @!p4 $0x0  }
0x1cc: {  	[tilespmem:s12], [sflag:$0x2] =	stream.linear.gather @!p4 [hbm4b:s6+s10], $0x80, $0x38;
	[tilespmem:$0x1DCA8] =	vst v63  }
0x1cd: {  	p4 =	sne.s32 @!p2 s11, $0x20  }
0x1ce: {  	p2 =	por p2, !p4  }
.Ltmp7:
0x1cf: {  	_ = 	snop;
	(pc) =	sbr.rel @!p2 .LBB2_7-.Ltmp7, $2  }
0x1d0: {  	s18 =	sld [smem:$0x7ED];
	_ =	sdelay $0x2  }
0x1d1: {  	p4 =	por p5, p5;
	p5 =	seq.s32 s18, $0x1  }
0x1d2: {  	s11 =	rddreg [dreg:$0x19]  }
0x1d3: {  	s6 =	rddreg [dreg:$0x11];
	s11 =	sadd.s32 $0x1, s11  }
0x1d4: {  	p0 =	sne.s32 s11, s6  }
.Ltmp8:
0x1d5: {  	_ = 	snop;
	(pc) =	sbr.rel @p0 .LBB2_1-.Ltmp8, $1  }
0x1d6: {  	_ =	sdelay $0x3  }
0x1d7: {  	_ =	sfence.sel $0x180000  }
0x1d8: {  	[bflag:$0x0] =	sbarrier.arrive $0xFFFF  }
0x1d9: {  	_ =	strace $0x90000047  }
0x1da: {  	[bflag:$0x2] =	sbarrier.arrive $0xFFFF  }
0x1db: {  	s1 =	sld [smem:$0x7FB];
	_ =	sdelay $0x2  }
0x1dc: {  	s0 =	rddreg [dreg:$0x4];
	p0 =	seq.s32 s1, $0x1  }
0x1dd: {  	s0 =	sadd.s32 @!p0 $0x100000, s0  }
0x1de: {  	[sflag:s0] =	ssyncadd.tile.s32 @!p0 $0x1;
	_ =	shalt  }
.Lfunc_end2:
_tile_overlayer_lowered:
.L_overlay_start_2:
0x1df: {  	(tag) =	ssettag $0x2  }
0x1e0: {  	s0 =	rddreg [dreg:$0x0];
	s2 =	stileid.u32  }
0x1e1: {  	s1 =	rddreg [dreg:$0x1];
	p0 =	sne.s32 s2, $0x0  }
0x1e2: {  	s3 =	rddreg [dreg:$0x2];
	[bflag:$0x3] =	sbarrier.arrive $0xFFFF;
	s2 =	simm.s32 @!p0 $0x1C07  }
0x1e3: {  	[timem:s3], [sflag:s2] =	dma.local @!p0 [hbm:s0], s1  }
0x1e4: {  	s0 =	simm.s32 @!p0 $0x7  }
0x1e5: {  	_ =	swait.ge @!p0 [sflag:s0], s1  }
0x1e6: {  	s1 =	ssub.s32 @!p0 $0x0, s1;
	[sflag:s0] =	ssyncset.done @!p0 $0x0  }
0x1e7: {  	[sflag:s0] =	ssyncadd.s32 @!p0 s1  }
0x1e8: {  	[bflag:$0x3] =	sbarrier.arrive $0xFFFF  }
0x1e9: {  	_ =	shalt  }

</sc_bundles>
